<compile_context>
chip_gen: v7x
topology: tpu7x:2x2x1
jax: 0.10.2.dev20260603
libtpu: 0.0.44.dev20260713+nightly
codegen_flags: <defaults>
</compile_context>

<pallas_src>
import functools

import jax
import jax.numpy as jnp
from jax import lax
from jax.experimental import pallas as pl
from jax.experimental.pallas import tpu as pltpu
from jax.experimental.pallas import tpu_sc as plsc

N = 10000
D = 128
F = 4
G = 64
H = 512
C = 10

NC, NS, L = 2, 16, 16
NW = NC * NS
R = 640
RPW = R // NW
S = N - R

BM = 672
M_BLOCKS = (S + BM - 1) // BM
UNROLL = 5
KCH5 = N // (L * UNROLL)


def _xwt_kernel(wg_ref, x_ref, xwt_ref):
    xwt_ref[...] = jax.lax.dot_general(
        wg_ref[...], x_ref[...], (((0,), (1,)), ((), ())),
        preferred_element_type=jnp.float32)


def _sc_rows(filt_hbm, xwt_hbm, out_hbm, bufa, bufb, xw0, xw1, xw2, xw3,
             outbuf, sema, semb):
    wid = lax.axis_index("s") * NC + lax.axis_index("c")
    base = S + wid * RPW
    pltpu.sync_copy(xwt_hbm.at[0], xw0)
    pltpu.sync_copy(xwt_hbm.at[1], xw1)
    pltpu.sync_copy(xwt_hbm.at[2], xw2)
    pltpu.sync_copy(xwt_hbm.at[3], xw3)

    def row_dot(buf, i):
        def chunk(ci, accs):
            a0, a1, a2, a3 = accs
            for u in range(UNROLL):
                off = ci * (L * UNROLL) + u * L
                rv = buf[pl.ds(off, L)]
                a0 = a0 + rv * xw0[pl.ds(off, L)]
                a1 = a1 + rv * xw1[pl.ds(off, L)]
                a2 = a2 + rv * xw2[pl.ds(off, L)]
                a3 = a3 + rv * xw3[pl.ds(off, L)]
            return (a0, a1, a2, a3)

        z = jnp.zeros((L,), jnp.float32)
        a0, a1, a2, a3 = lax.fori_loop(0, KCH5, chunk, (z, z, z, z))
        outbuf[pl.ds(i * 4 * L, L)] = a0
        outbuf[pl.ds(i * 4 * L + L, L)] = a1
        outbuf[pl.ds(i * 4 * L + 2 * L, L)] = a2
        outbuf[pl.ds(i * 4 * L + 3 * L, L)] = a3

    pltpu.async_copy(filt_hbm.at[base], bufa, sema)

    def pair(j, carry):
        r0 = base + 2 * j
        pltpu.async_copy(filt_hbm.at[r0 + 1], bufb, semb)
        pltpu.make_async_copy(filt_hbm.at[r0], bufa, sema).wait()
        row_dot(bufa, 2 * j)
        pltpu.async_copy(
            filt_hbm.at[jnp.minimum(r0 + 2, N - 1)], bufa, sema)
        pltpu.make_async_copy(filt_hbm.at[r0 + 1], bufb, semb).wait()
        row_dot(bufb, 2 * j + 1)
        return carry

    lax.fori_loop(0, RPW // 2, pair, 0)
    pltpu.make_async_copy(filt_hbm.at[0], bufa, sema).wait()
    pltpu.sync_copy(outbuf, out_hbm.at[pl.ds(wid * RPW * 4 * L, RPW * 4 * L)])


def _body_kernel(x_ref, wg_ref, filt_ref, ids_ref, pool_ref,
                 xw_ref, pooled_ref):
    m = pl.program_id(0)

    @pl.when(m == 0)
    def _init():
        xw_ref[...] = jnp.dot(x_ref[...], wg_ref[...],
                              preferred_element_type=jnp.float32)
        pooled_ref[...] = jnp.zeros_like(pooled_ref)

    h_blk = jnp.maximum(
        jnp.dot(filt_ref[...], xw_ref[...],
                preferred_element_type=jnp.float32), 0.0)
    gids = jax.lax.broadcasted_iota(jnp.int32, (BM, G), 1)
    rows = jax.lax.broadcasted_iota(jnp.int32, (BM, G), 0) + m * BM
    oh = (ids_ref[...] == gids) & (rows < N)
    cols = [jnp.max(jnp.where(oh, h_blk[:, f:f + 1], 0.0),
                    axis=0, keepdims=True) for f in range(F)]
    local = jnp.concatenate(cols, axis=0)
    pooled_ref[...] = jnp.maximum(pooled_ref[...], local)

    @pl.when(m == M_BLOCKS - 1)
    def _out():
        pool_ref[...] = pooled_ref[...]


def _merge_kernel(ptc_ref, part_ref, ids_ref, wh_ref, bh_ref,
                  wc_ref, bc_ref, out_ref):
    jrow = jax.lax.broadcasted_iota(jnp.int32, (4 * L, F), 0) // L
    jcol = jax.lax.broadcasted_iota(jnp.int32, (4 * L, F), 1)
    sel = jnp.where(jrow == jcol, 1.0, 0.0)
    h_sc = jnp.maximum(
        jnp.dot(part_ref[...], sel,
                preferred_element_type=jnp.float32), 0.0)
    gids = jax.lax.broadcasted_iota(jnp.int32, (R, G), 1)
    oh = ids_ref[...] == gids
    cols = [jnp.max(jnp.where(oh, h_sc[:, f:f + 1], 0.0),
                    axis=0, keepdims=True) for f in range(F)]
    local = jnp.concatenate(cols, axis=0)
    pooled_t = jnp.maximum(ptc_ref[...], local)
    z = jnp.maximum(
        jax.lax.dot_general(pooled_t, wh_ref[...],
                            (((0,), (0,)), ((), ())),
                            preferred_element_type=jnp.float32)
        + bh_ref[...], 0.0)
    logits = jnp.dot(z, wc_ref[...],
                     preferred_element_type=jnp.float32) + bc_ref[...]
    mx = jnp.max(logits, axis=-1, keepdims=True)
    e = jnp.exp(logits - mx)
    out_ref[...] = e / jnp.sum(e, axis=-1, keepdims=True)


_sc_call = functools.partial(
    pl.kernel,
    mesh=plsc.VectorSubcoreMesh(core_axis_name="c", subcore_axis_name="s"),
    out_type=jax.ShapeDtypeStruct((R * 4 * L,), jnp.float32),
    scratch_types=[
        pltpu.VMEM((N,), jnp.float32),
        pltpu.VMEM((N,), jnp.float32),
        pltpu.VMEM((N,), jnp.float32),
        pltpu.VMEM((N,), jnp.float32),
        pltpu.VMEM((N,), jnp.float32),
        pltpu.VMEM((N,), jnp.float32),
        pltpu.VMEM((RPW * 4 * L,), jnp.float32),
        pltpu.SemaphoreType.DMA,
        pltpu.SemaphoreType.DMA,
    ],
)


@jax.jit
def _run(filtre, X, node_indicator, W_gcn, W_h, b_h, W_c, b_c):
    ids2 = node_indicator.astype(jnp.int32).reshape(N, 1)
    ids_sc = jax.lax.slice(ids2, (S, 0), (N, 1))

    xwt = pl.pallas_call(
        _xwt_kernel,
        out_shape=jax.ShapeDtypeStruct((F, N), jnp.float32),
    )(W_gcn, X)

    partials = _sc_call(_sc_rows)(filtre, xwt)

    pooled_tc = pl.pallas_call(
        _body_kernel,
        grid=(M_BLOCKS,),
        in_specs=[
            pl.BlockSpec((N, D), lambda m: (0, 0)),
            pl.BlockSpec((D, F), lambda m: (0, 0)),
            pl.BlockSpec((BM, N), lambda m: (m, 0)),
            pl.BlockSpec((BM, 1), lambda m: (m, 0)),
        ],
        out_specs=pl.BlockSpec((F, G), lambda m: (0, 0)),
        out_shape=jax.ShapeDtypeStruct((F, G), jnp.float32),
        compiler_params=pltpu.CompilerParams(
            vmem_limit_bytes=64 * 1024 * 1024),
        scratch_shapes=[
            pltpu.VMEM((N, F), jnp.float32),
            pltpu.VMEM((F, G), jnp.float32),
        ],
    )(X, W_gcn, filtre, ids2)

    return pl.pallas_call(
        _merge_kernel,
        out_shape=jax.ShapeDtypeStruct((G, C), jnp.float32),
    )(pooled_tc, partials.reshape(R, 4 * L), ids_sc,
      W_h, b_h.reshape(1, H), W_c, b_c.reshape(1, C))


def kernel(filtre, X, node_indicator, W_gcn, W_h, b_h, W_c, b_c):
    return _run(filtre, X, node_indicator, W_gcn, W_h, b_h, W_c, b_c)

# --- scband reference (transcript-rebuilt; emitter-appended) ---
"""Pipeline reference for scband-gcnmax-pool-83958020702889 (READ-ONLY COPY).

The authoritative reference and input builder live on the scoring server;
editing this copy changes nothing except your own understanding.
"""

import jax, jax.numpy as jnp
import numpy as np

N = 10000   # nodes
D = 128     # input feature dim
F = 4       # GCN output features (features=4)
G = 64      # graphs in batch
H = 512     # hidden dense
C = 10      # num_classes


def setup_inputs(seed: int = 0) -> dict:
    key = jax.random.key(seed)
    ks = jax.random.split(key, 9)
    filtre = jax.random.normal(ks[0], (N, N), dtype=jnp.float32)
    X = jax.random.normal(ks[1], (N, D), dtype=jnp.float32)
    node_indicator = jnp.sort(jax.random.randint(ks[2], (N,), 0, G).astype(jnp.int64))
    # learned parameters (Glorot-ish scaling)
    W_gcn = jax.random.normal(ks[3], (D, F), dtype=jnp.float32) * np.sqrt(2.0 / (D + F))
    W_h = jax.random.normal(ks[4], (F, H), dtype=jnp.float32) * np.sqrt(2.0 / (F + H))
    b_h = jnp.zeros((H,), dtype=jnp.float32)
    W_c = jax.random.normal(ks[5], (H, C), dtype=jnp.float32) * np.sqrt(2.0 / (H + C))
    b_c = jnp.zeros((C,), dtype=jnp.float32)
    return {"filtre": filtre, "X": X, "node_indicator": node_indicator,
            "W_gcn": W_gcn, "W_h": W_h, "b_h": b_h, "W_c": W_c, "b_c": b_c}


def reference(filtre, X, node_indicator, W_gcn, W_h, b_h, W_c, b_c):
    # GCN layer: relu(filtre @ X @ W); dropout inactive at inference
    h = jax.nn.relu(filtre @ (X @ W_gcn))            # [N, F]
    # SimplePool mode='max': per-graph max pooling via segment_max
    pooled = jax.ops.segment_max(h, node_indicator, num_segments=G)  # [G, F]
    # guard empty segments (-inf) -> 0; identity for non-empty since h >= 0 after relu
    pooled = jnp.maximum(pooled, 0.0)
    z = jax.nn.relu(pooled @ W_h + b_h)              # [G, 512]
    out = jax.nn.softmax(z @ W_c + b_c, axis=-1)     # [G, num_classes]
    return out

if __name__ == "__main__":
    import jax
    _d = setup_inputs()
    print(jax.jit(kernel)(*tuple(_d.values())))

</pallas_src>

<mosaic_0001>
#map = affine_map<(d0, d1) -> (0, 0)>
#map1 = affine_map<(d0, d1) -> (0)>
module attributes {stable_mosaic.version = 14 : i64} {
  func.func @_sc_rows(%arg0: i32, %arg1: i32, %arg2: memref<10000x10000xf32, #tpu.memory_space<hbm>>, %arg3: memref<4x10000xf32, #tpu.memory_space<hbm>>, %arg4: memref<40960xf32, #tpu.memory_space<hbm>>, %arg5: memref<10000xf32, #tpu.memory_space<vmem>>, %arg6: memref<10000xf32, #tpu.memory_space<vmem>>, %arg7: memref<10000xf32, #tpu.memory_space<vmem>>, %arg8: memref<10000xf32, #tpu.memory_space<vmem>>, %arg9: memref<10000xf32, #tpu.memory_space<vmem>>, %arg10: memref<10000xf32, #tpu.memory_space<vmem>>, %arg11: memref<1280xf32, #tpu.memory_space<vmem>>, %arg12: memref<!tpu.dma_semaphore, #tpu.memory_space<semaphore_mem>>, %arg13: memref<!tpu.dma_semaphore, #tpu.memory_space<semaphore_mem>>) attributes {dimension_semantics = [#tpu.dimension_semantics<core_parallel>, #tpu.dimension_semantics<subcore_parallel>], iteration_bounds = array<i64: 2, 16>, scalar_prefetch = 0 : i64, scratch_operands = 9 : i64, tpu.core_type = #tpu.core_type<sc_vector_subcore>, window_params = [{transform_indices = #map}, {transform_indices = #map}, {transform_indices = #map1}]} {
    %mul3A = arith.constant 2 : i32
    %mul3A_0 = arith.muli %arg1, %mul3A : i32
    %add3A = arith.addi %mul3A_0, %arg0 : i32
    %mul3A_1 = arith.constant 20 : i32
    %mul3A_2 = arith.muli %add3A, %mul3A_1 : i32
    %add3A_3 = arith.constant 9360 : i32
    %add3A_4 = arith.addi %add3A_3, %mul3A_2 : i32
    %run_scoped3A = arith.constant 0 : i32
    "tpu.region"() ({
      %run_scoped3A_30 = tpu.sem_alloc : memref<!tpu.dma_semaphore, #tpu.memory_space<semaphore_mem>>
      %dma_start3A_31 = arith.constant 0 : i32
      %dma_start3A_32 = tpu.memref_slice %arg3[%run_scoped3A, %dma_start3A_31] : memref<4x10000xf32, #tpu.memory_space<hbm>> -> memref<1x10000xf32, #tpu.memory_space<hbm>>
      %dma_start3A_33 = tpu.memref_squeeze %dma_start3A_32 : memref<1x10000xf32, #tpu.memory_space<hbm>> -> memref<10000xf32, #tpu.memory_space<hbm>>
      %dma_start3A_34 = arith.constant 0 : i32
      %dma_start3A_35 = tpu.memref_slice %arg3[%run_scoped3A, %dma_start3A_34] : memref<4x10000xf32, #tpu.memory_space<hbm>> -> memref<1x10000xf32, #tpu.memory_space<hbm>>
      %dma_start3A_36 = tpu.memref_squeeze %dma_start3A_35 : memref<1x10000xf32, #tpu.memory_space<hbm>> -> memref<10000xf32, #tpu.memory_space<hbm>>
      tpu.enqueue_dma source(%dma_start3A_36 : memref<10000xf32, #tpu.memory_space<hbm>>) target(%arg7 : memref<10000xf32, #tpu.memory_space<vmem>>) target_semaphore(%run_scoped3A_30 : memref<!tpu.dma_semaphore, #tpu.memory_space<semaphore_mem>>)
      %dma_wait3A_37 = arith.constant 0 : i32
      %dma_wait3A_38 = tpu.memref_slice %arg3[%run_scoped3A, %dma_wait3A_37] : memref<4x10000xf32, #tpu.memory_space<hbm>> -> memref<1x10000xf32, #tpu.memory_space<hbm>>
      %dma_wait3A_39 = tpu.memref_squeeze %dma_wait3A_38 : memref<1x10000xf32, #tpu.memory_space<hbm>> -> memref<10000xf32, #tpu.memory_space<hbm>>
      %dma_wait3A_40 = arith.constant 0 : i32
      %dma_wait3A_41 = tpu.memref_slice %arg3[%run_scoped3A, %dma_wait3A_40] : memref<4x10000xf32, #tpu.memory_space<hbm>> -> memref<1x10000xf32, #tpu.memory_space<hbm>>
      %dma_wait3A_42 = tpu.memref_squeeze %dma_wait3A_41 : memref<1x10000xf32, #tpu.memory_space<hbm>> -> memref<10000xf32, #tpu.memory_space<hbm>>
      tpu.wait_dma2 semaphore(%run_scoped3A_30 : memref<!tpu.dma_semaphore, #tpu.memory_space<semaphore_mem>>) src(%dma_wait3A_42 : memref<10000xf32, #tpu.memory_space<hbm>>) dst(%arg7 : memref<10000xf32, #tpu.memory_space<vmem>>)
      tpu.yield
    }) : () -> ()
    %run_scoped3A_5 = arith.constant 1 : i32
    "tpu.region"() ({
      %run_scoped3A_30 = tpu.sem_alloc : memref<!tpu.dma_semaphore, #tpu.memory_space<semaphore_mem>>
      %dma_start3A_31 = arith.constant 0 : i32
      %dma_start3A_32 = tpu.memref_slice %arg3[%run_scoped3A_5, %dma_start3A_31] : memref<4x10000xf32, #tpu.memory_space<hbm>> -> memref<1x10000xf32, #tpu.memory_space<hbm>>
      %dma_start3A_33 = tpu.memref_squeeze %dma_start3A_32 : memref<1x10000xf32, #tpu.memory_space<hbm>> -> memref<10000xf32, #tpu.memory_space<hbm>>
      %dma_start3A_34 = arith.constant 0 : i32
      %dma_start3A_35 = tpu.memref_slice %arg3[%run_scoped3A_5, %dma_start3A_34] : memref<4x10000xf32, #tpu.memory_space<hbm>> -> memref<1x10000xf32, #tpu.memory_space<hbm>>
      %dma_start3A_36 = tpu.memref_squeeze %dma_start3A_35 : memref<1x10000xf32, #tpu.memory_space<hbm>> -> memref<10000xf32, #tpu.memory_space<hbm>>
      tpu.enqueue_dma source(%dma_start3A_36 : memref<10000xf32, #tpu.memory_space<hbm>>) target(%arg8 : memref<10000xf32, #tpu.memory_space<vmem>>) target_semaphore(%run_scoped3A_30 : memref<!tpu.dma_semaphore, #tpu.memory_space<semaphore_mem>>)
      %dma_wait3A_37 = arith.constant 0 : i32
      %dma_wait3A_38 = tpu.memref_slice %arg3[%run_scoped3A_5, %dma_wait3A_37] : memref<4x10000xf32, #tpu.memory_space<hbm>> -> memref<1x10000xf32, #tpu.memory_space<hbm>>
      %dma_wait3A_39 = tpu.memref_squeeze %dma_wait3A_38 : memref<1x10000xf32, #tpu.memory_space<hbm>> -> memref<10000xf32, #tpu.memory_space<hbm>>
      %dma_wait3A_40 = arith.constant 0 : i32
      %dma_wait3A_41 = tpu.memref_slice %arg3[%run_scoped3A_5, %dma_wait3A_40] : memref<4x10000xf32, #tpu.memory_space<hbm>> -> memref<1x10000xf32, #tpu.memory_space<hbm>>
      %dma_wait3A_42 = tpu.memref_squeeze %dma_wait3A_41 : memref<1x10000xf32, #tpu.memory_space<hbm>> -> memref<10000xf32, #tpu.memory_space<hbm>>
      tpu.wait_dma2 semaphore(%run_scoped3A_30 : memref<!tpu.dma_semaphore, #tpu.memory_space<semaphore_mem>>) src(%dma_wait3A_42 : memref<10000xf32, #tpu.memory_space<hbm>>) dst(%arg8 : memref<10000xf32, #tpu.memory_space<vmem>>)
      tpu.yield
    }) : () -> ()
    %run_scoped3A_6 = arith.constant 2 : i32
    "tpu.region"() ({
      %run_scoped3A_30 = tpu.sem_alloc : memref<!tpu.dma_semaphore, #tpu.memory_space<semaphore_mem>>
      %dma_start3A_31 = arith.constant 0 : i32
      %dma_start3A_32 = tpu.memref_slice %arg3[%run_scoped3A_6, %dma_start3A_31] : memref<4x10000xf32, #tpu.memory_space<hbm>> -> memref<1x10000xf32, #tpu.memory_space<hbm>>
      %dma_start3A_33 = tpu.memref_squeeze %dma_start3A_32 : memref<1x10000xf32, #tpu.memory_space<hbm>> -> memref<10000xf32, #tpu.memory_space<hbm>>
      %dma_start3A_34 = arith.constant 0 : i32
      %dma_start3A_35 = tpu.memref_slice %arg3[%run_scoped3A_6, %dma_start3A_34] : memref<4x10000xf32, #tpu.memory_space<hbm>> -> memref<1x10000xf32, #tpu.memory_space<hbm>>
      %dma_start3A_36 = tpu.memref_squeeze %dma_start3A_35 : memref<1x10000xf32, #tpu.memory_space<hbm>> -> memref<10000xf32, #tpu.memory_space<hbm>>
      tpu.enqueue_dma source(%dma_start3A_36 : memref<10000xf32, #tpu.memory_space<hbm>>) target(%arg9 : memref<10000xf32, #tpu.memory_space<vmem>>) target_semaphore(%run_scoped3A_30 : memref<!tpu.dma_semaphore, #tpu.memory_space<semaphore_mem>>)
      %dma_wait3A_37 = arith.constant 0 : i32
      %dma_wait3A_38 = tpu.memref_slice %arg3[%run_scoped3A_6, %dma_wait3A_37] : memref<4x10000xf32, #tpu.memory_space<hbm>> -> memref<1x10000xf32, #tpu.memory_space<hbm>>
      %dma_wait3A_39 = tpu.memref_squeeze %dma_wait3A_38 : memref<1x10000xf32, #tpu.memory_space<hbm>> -> memref<10000xf32, #tpu.memory_space<hbm>>
      %dma_wait3A_40 = arith.constant 0 : i32
      %dma_wait3A_41 = tpu.memref_slice %arg3[%run_scoped3A_6, %dma_wait3A_40] : memref<4x10000xf32, #tpu.memory_space<hbm>> -> memref<1x10000xf32, #tpu.memory_space<hbm>>
      %dma_wait3A_42 = tpu.memref_squeeze %dma_wait3A_41 : memref<1x10000xf32, #tpu.memory_space<hbm>> -> memref<10000xf32, #tpu.memory_space<hbm>>
      tpu.wait_dma2 semaphore(%run_scoped3A_30 : memref<!tpu.dma_semaphore, #tpu.memory_space<semaphore_mem>>) src(%dma_wait3A_42 : memref<10000xf32, #tpu.memory_space<hbm>>) dst(%arg9 : memref<10000xf32, #tpu.memory_space<vmem>>)
      tpu.yield
    }) : () -> ()
    %run_scoped3A_7 = arith.constant 3 : i32
    "tpu.region"() ({
      %run_scoped3A_30 = tpu.sem_alloc : memref<!tpu.dma_semaphore, #tpu.memory_space<semaphore_mem>>
      %dma_start3A_31 = arith.constant 0 : i32
      %dma_start3A_32 = tpu.memref_slice %arg3[%run_scoped3A_7, %dma_start3A_31] : memref<4x10000xf32, #tpu.memory_space<hbm>> -> memref<1x10000xf32, #tpu.memory_space<hbm>>
      %dma_start3A_33 = tpu.memref_squeeze %dma_start3A_32 : memref<1x10000xf32, #tpu.memory_space<hbm>> -> memref<10000xf32, #tpu.memory_space<hbm>>
      %dma_start3A_34 = arith.constant 0 : i32
      %dma_start3A_35 = tpu.memref_slice %arg3[%run_scoped3A_7, %dma_start3A_34] : memref<4x10000xf32, #tpu.memory_space<hbm>> -> memref<1x10000xf32, #tpu.memory_space<hbm>>
      %dma_start3A_36 = tpu.memref_squeeze %dma_start3A_35 : memref<1x10000xf32, #tpu.memory_space<hbm>> -> memref<10000xf32, #tpu.memory_space<hbm>>
      tpu.enqueue_dma source(%dma_start3A_36 : memref<10000xf32, #tpu.memory_space<hbm>>) target(%arg10 : memref<10000xf32, #tpu.memory_space<vmem>>) target_semaphore(%run_scoped3A_30 : memref<!tpu.dma_semaphore, #tpu.memory_space<semaphore_mem>>)
      %dma_wait3A_37 = arith.constant 0 : i32
      %dma_wait3A_38 = tpu.memref_slice %arg3[%run_scoped3A_7, %dma_wait3A_37] : memref<4x10000xf32, #tpu.memory_space<hbm>> -> memref<1x10000xf32, #tpu.memory_space<hbm>>
      %dma_wait3A_39 = tpu.memref_squeeze %dma_wait3A_38 : memref<1x10000xf32, #tpu.memory_space<hbm>> -> memref<10000xf32, #tpu.memory_space<hbm>>
      %dma_wait3A_40 = arith.constant 0 : i32
      %dma_wait3A_41 = tpu.memref_slice %arg3[%run_scoped3A_7, %dma_wait3A_40] : memref<4x10000xf32, #tpu.memory_space<hbm>> -> memref<1x10000xf32, #tpu.memory_space<hbm>>
      %dma_wait3A_42 = tpu.memref_squeeze %dma_wait3A_41 : memref<1x10000xf32, #tpu.memory_space<hbm>> -> memref<10000xf32, #tpu.memory_space<hbm>>
      tpu.wait_dma2 semaphore(%run_scoped3A_30 : memref<!tpu.dma_semaphore, #tpu.memory_space<semaphore_mem>>) src(%dma_wait3A_42 : memref<10000xf32, #tpu.memory_space<hbm>>) dst(%arg10 : memref<10000xf32, #tpu.memory_space<vmem>>)
      tpu.yield
    }) : () -> ()
    %dma_start3A = arith.constant 0 : i32
    %dma_start3A_8 = tpu.memref_slice %arg2[%add3A_4, %dma_start3A] : memref<10000x10000xf32, #tpu.memory_space<hbm>> -> memref<1x10000xf32, #tpu.memory_space<hbm>>
    %dma_start3A_9 = tpu.memref_squeeze %dma_start3A_8 : memref<1x10000xf32, #tpu.memory_space<hbm>> -> memref<10000xf32, #tpu.memory_space<hbm>>
    %dma_start3A_10 = arith.constant 0 : i32
    %dma_start3A_11 = tpu.memref_slice %arg2[%add3A_4, %dma_start3A_10] : memref<10000x10000xf32, #tpu.memory_space<hbm>> -> memref<1x10000xf32, #tpu.memory_space<hbm>>
    %dma_start3A_12 = tpu.memref_squeeze %dma_start3A_11 : memref<1x10000xf32, #tpu.memory_space<hbm>> -> memref<10000xf32, #tpu.memory_space<hbm>>
    tpu.enqueue_dma source(%dma_start3A_12 : memref<10000xf32, #tpu.memory_space<hbm>>) target(%arg5 : memref<10000xf32, #tpu.memory_space<vmem>>) target_semaphore(%arg12 : memref<!tpu.dma_semaphore, #tpu.memory_space<semaphore_mem>>)
    %scan3A = arith.constant 0 : i32
    %scan3A_13 = arith.constant 0 : i32
    %scan3A_14 = arith.constant 10 : i32
    %scan3A_15 = arith.addi %scan3A_13, %scan3A_14 : i32
    %scan3A_16 = arith.constant 1 : i32
    scf.for %scan3A_30 = %scan3A_13 to %scan3A_15 step %scan3A_16  : i32 {
      %mul3A_31 = arith.constant 2 : i32
      %mul3A_32 = arith.muli %mul3A_31, %scan3A_30 : i32
      %add3A_33 = arith.addi %add3A_4, %mul3A_32 : i32
      %add3A_34 = arith.constant 1 : i32
      %add3A_35 = arith.addi %add3A_33, %add3A_34 : i32
      %dma_start3A_36 = arith.constant 0 : i32
      %dma_start3A_37 = tpu.memref_slice %arg2[%add3A_35, %dma_start3A_36] : memref<10000x10000xf32, #tpu.memory_space<hbm>> -> memref<1x10000xf32, #tpu.memory_space<hbm>>
      %dma_start3A_38 = tpu.memref_squeeze %dma_start3A_37 : memref<1x10000xf32, #tpu.memory_space<hbm>> -> memref<10000xf32, #tpu.memory_space<hbm>>
      %dma_start3A_39 = arith.constant 0 : i32
      %dma_start3A_40 = tpu.memref_slice %arg2[%add3A_35, %dma_start3A_39] : memref<10000x10000xf32, #tpu.memory_space<hbm>> -> memref<1x10000xf32, #tpu.memory_space<hbm>>
      %dma_start3A_41 = tpu.memref_squeeze %dma_start3A_40 : memref<1x10000xf32, #tpu.memory_space<hbm>> -> memref<10000xf32, #tpu.memory_space<hbm>>
      tpu.enqueue_dma source(%dma_start3A_41 : memref<10000xf32, #tpu.memory_space<hbm>>) target(%arg6 : memref<10000xf32, #tpu.memory_space<vmem>>) target_semaphore(%arg13 : memref<!tpu.dma_semaphore, #tpu.memory_space<semaphore_mem>>)
      %dma_wait3A_42 = arith.constant 0 : i32
      %dma_wait3A_43 = tpu.memref_slice %arg2[%add3A_33, %dma_wait3A_42] : memref<10000x10000xf32, #tpu.memory_space<hbm>> -> memref<1x10000xf32, #tpu.memory_space<hbm>>
      %dma_wait3A_44 = tpu.memref_squeeze %dma_wait3A_43 : memref<1x10000xf32, #tpu.memory_space<hbm>> -> memref<10000xf32, #tpu.memory_space<hbm>>
      %dma_wait3A_45 = arith.constant 0 : i32
      %dma_wait3A_46 = tpu.memref_slice %arg2[%add3A_33, %dma_wait3A_45] : memref<10000x10000xf32, #tpu.memory_space<hbm>> -> memref<1x10000xf32, #tpu.memory_space<hbm>>
      %dma_wait3A_47 = tpu.memref_squeeze %dma_wait3A_46 : memref<1x10000xf32, #tpu.memory_space<hbm>> -> memref<10000xf32, #tpu.memory_space<hbm>>
      tpu.wait_dma2 semaphore(%arg12 : memref<!tpu.dma_semaphore, #tpu.memory_space<semaphore_mem>>) src(%dma_wait3A_47 : memref<10000xf32, #tpu.memory_space<hbm>>) dst(%arg5 : memref<10000xf32, #tpu.memory_space<vmem>>)
      %mul3A_48 = arith.constant 2 : i32
      %mul3A_49 = arith.muli %mul3A_48, %scan3A_30 : i32
      %broadcast_in_dim3A = arith.constant 0.000000e+00 : f32
      %broadcast_in_dim3A_50 = vector.broadcast %broadcast_in_dim3A : f32 to vector<16xf32>
      %scan3A_51 = arith.constant 0 : i32
      %scan3A_52 = arith.constant 125 : i32
      %scan3A_53 = arith.addi %scan3A_51, %scan3A_52 : i32
      %scan3A_54 = arith.constant 1 : i32
      %scan3A_55:4 = scf.for %scan3A_161 = %scan3A_51 to %scan3A_53 step %scan3A_54 iter_args(%scan3A_162 = %broadcast_in_dim3A_50, %scan3A_163 = %broadcast_in_dim3A_50, %scan3A_164 = %broadcast_in_dim3A_50, %scan3A_165 = %broadcast_in_dim3A_50) -> (vector<16xf32>, vector<16xf32>, vector<16xf32>, vector<16xf32>)  : i32 {
        %mul3A_166 = arith.constant 80 : i32
        %mul3A_167 = arith.muli %scan3A_161, %mul3A_166 : i32
        %add3A_168 = arith.constant 0 : i32
        %add3A_169 = arith.addi %mul3A_167, %add3A_168 : i32
        %get3A = arith.index_cast %add3A_169 : i32 to index
        %get3A_170 = tpu.vector_load %arg5[%get3A] {strides = array<i32>} : memref<10000xf32, #tpu.memory_space<vmem>>, vector<16xf32>,
        %get3A_171 = vector.shape_cast %get3A_170 : vector<16xf32> to vector<16xf32>
        %get3A_172 = arith.index_cast %add3A_169 : i32 to index
        %get3A_173 = tpu.vector_load %arg7[%get3A_172] {strides = array<i32>} : memref<10000xf32, #tpu.memory_space<vmem>>, vector<16xf32>,
        %get3A_174 = vector.shape_cast %get3A_173 : vector<16xf32> to vector<16xf32>
        %mul3A_175 = arith.mulf %get3A_171, %get3A_174 : vector<16xf32>
        %add3A_176 = arith.addf %scan3A_162, %mul3A_175 : vector<16xf32>
        %get3A_177 = arith.index_cast %add3A_169 : i32 to index
        %get3A_178 = tpu.vector_load %arg8[%get3A_177] {strides = array<i32>} : memref<10000xf32, #tpu.memory_space<vmem>>, vector<16xf32>,
        %get3A_179 = vector.shape_cast %get3A_178 : vector<16xf32> to vector<16xf32>
        %mul3A_180 = arith.mulf %get3A_171, %get3A_179 : vector<16xf32>
        %add3A_181 = arith.addf %scan3A_163, %mul3A_180 : vector<16xf32>
        %get3A_182 = arith.index_cast %add3A_169 : i32 to index
        %get3A_183 = tpu.vector_load %arg9[%get3A_182] {strides = array<i32>} : memref<10000xf32, #tpu.memory_space<vmem>>, vector<16xf32>,
        %get3A_184 = vector.shape_cast %get3A_183 : vector<16xf32> to vector<16xf32>
        %mul3A_185 = arith.mulf %get3A_171, %get3A_184 : vector<16xf32>
        %add3A_186 = arith.addf %scan3A_164, %mul3A_185 : vector<16xf32>
        %get3A_187 = arith.index_cast %add3A_169 : i32 to index
        %get3A_188 = tpu.vector_load %arg10[%get3A_187] {strides = array<i32>} : memref<10000xf32, #tpu.memory_space<vmem>>, vector<16xf32>,
        %get3A_189 = vector.shape_cast %get3A_188 : vector<16xf32> to vector<16xf32>
        %mul3A_190 = arith.mulf %get3A_171, %get3A_189 : vector<16xf32>
        %add3A_191 = arith.addf %scan3A_165, %mul3A_190 : vector<16xf32>
        %mul3A_192 = arith.constant 80 : i32
        %mul3A_193 = arith.muli %scan3A_161, %mul3A_192 : i32
        %add3A_194 = arith.constant 16 : i32
        %add3A_195 = arith.addi %mul3A_193, %add3A_194 : i32
        %get3A_196 = arith.index_cast %add3A_195 : i32 to index
        %get3A_197 = tpu.vector_load %arg5[%get3A_196] {strides = array<i32>} : memref<10000xf32, #tpu.memory_space<vmem>>, vector<16xf32>,
        %get3A_198 = vector.shape_cast %get3A_197 : vector<16xf32> to vector<16xf32>
        %get3A_199 = arith.index_cast %add3A_195 : i32 to index
        %get3A_200 = tpu.vector_load %arg7[%get3A_199] {strides = array<i32>} : memref<10000xf32, #tpu.memory_space<vmem>>, vector<16xf32>,
        %get3A_201 = vector.shape_cast %get3A_200 : vector<16xf32> to vector<16xf32>
        %mul3A_202 = arith.mulf %get3A_198, %get3A_201 : vector<16xf32>
        %add3A_203 = arith.addf %add3A_176, %mul3A_202 : vector<16xf32>
        %get3A_204 = arith.index_cast %add3A_195 : i32 to index
        %get3A_205 = tpu.vector_load %arg8[%get3A_204] {strides = array<i32>} : memref<10000xf32, #tpu.memory_space<vmem>>, vector<16xf32>,
        %get3A_206 = vector.shape_cast %get3A_205 : vector<16xf32> to vector<16xf32>
        %mul3A_207 = arith.mulf %get3A_198, %get3A_206 : vector<16xf32>
        %add3A_208 = arith.addf %add3A_181, %mul3A_207 : vector<16xf32>
        %get3A_209 = arith.index_cast %add3A_195 : i32 to index
        %get3A_210 = tpu.vector_load %arg9[%get3A_209] {strides = array<i32>} : memref<10000xf32, #tpu.memory_space<vmem>>, vector<16xf32>,
        %get3A_211 = vector.shape_cast %get3A_210 : vector<16xf32> to vector<16xf32>
        %mul3A_212 = arith.mulf %get3A_198, %get3A_211 : vector<16xf32>
        %add3A_213 = arith.addf %add3A_186, %mul3A_212 : vector<16xf32>
        %get3A_214 = arith.index_cast %add3A_195 : i32 to index
        %get3A_215 = tpu.vector_load %arg10[%get3A_214] {strides = array<i32>} : memref<10000xf32, #tpu.memory_space<vmem>>, vector<16xf32>,
        %get3A_216 = vector.shape_cast %get3A_215 : vector<16xf32> to vector<16xf32>
        %mul3A_217 = arith.mulf %get3A_198, %get3A_216 : vector<16xf32>
        %add3A_218 = arith.addf %add3A_191, %mul3A_217 : vector<16xf32>
        %mul3A_219 = arith.constant 80 : i32
        %mul3A_220 = arith.muli %scan3A_161, %mul3A_219 : i32
        %add3A_221 = arith.constant 32 : i32
        %add3A_222 = arith.addi %mul3A_220, %add3A_221 : i32
        %get3A_223 = arith.index_cast %add3A_222 : i32 to index
        %get3A_224 = tpu.vector_load %arg5[%get3A_223] {strides = array<i32>} : memref<10000xf32, #tpu.memory_space<vmem>>, vector<16xf32>,
        %get3A_225 = vector.shape_cast %get3A_224 : vector<16xf32> to vector<16xf32>
        %get3A_226 = arith.index_cast %add3A_222 : i32 to index
        %get3A_227 = tpu.vector_load %arg7[%get3A_226] {strides = array<i32>} : memref<10000xf32, #tpu.memory_space<vmem>>, vector<16xf32>,
        %get3A_228 = vector.shape_cast %get3A_227 : vector<16xf32> to vector<16xf32>
        %mul3A_229 = arith.mulf %get3A_225, %get3A_228 : vector<16xf32>
        %add3A_230 = arith.addf %add3A_203, %mul3A_229 : vector<16xf32>
        %get3A_231 = arith.index_cast %add3A_222 : i32 to index
        %get3A_232 = tpu.vector_load %arg8[%get3A_231] {strides = array<i32>} : memref<10000xf32, #tpu.memory_space<vmem>>, vector<16xf32>,
        %get3A_233 = vector.shape_cast %get3A_232 : vector<16xf32> to vector<16xf32>
        %mul3A_234 = arith.mulf %get3A_225, %get3A_233 : vector<16xf32>
        %add3A_235 = arith.addf %add3A_208, %mul3A_234 : vector<16xf32>
        %get3A_236 = arith.index_cast %add3A_222 : i32 to index
        %get3A_237 = tpu.vector_load %arg9[%get3A_236] {strides = array<i32>} : memref<10000xf32, #tpu.memory_space<vmem>>, vector<16xf32>,
        %get3A_238 = vector.shape_cast %get3A_237 : vector<16xf32> to vector<16xf32>
        %mul3A_239 = arith.mulf %get3A_225, %get3A_238 : vector<16xf32>
        %add3A_240 = arith.addf %add3A_213, %mul3A_239 : vector<16xf32>
        %get3A_241 = arith.index_cast %add3A_222 : i32 to index
        %get3A_242 = tpu.vector_load %arg10[%get3A_241] {strides = array<i32>} : memref<10000xf32, #tpu.memory_space<vmem>>, vector<16xf32>,
        %get3A_243 = vector.shape_cast %get3A_242 : vector<16xf32> to vector<16xf32>
        %mul3A_244 = arith.mulf %get3A_225, %get3A_243 : vector<16xf32>
        %add3A_245 = arith.addf %add3A_218, %mul3A_244 : vector<16xf32>
        %mul3A_246 = arith.constant 80 : i32
        %mul3A_247 = arith.muli %scan3A_161, %mul3A_246 : i32
        %add3A_248 = arith.constant 48 : i32
        %add3A_249 = arith.addi %mul3A_247, %add3A_248 : i32
        %get3A_250 = arith.index_cast %add3A_249 : i32 to index
        %get3A_251 = tpu.vector_load %arg5[%get3A_250] {strides = array<i32>} : memref<10000xf32, #tpu.memory_space<vmem>>, vector<16xf32>,
        %get3A_252 = vector.shape_cast %get3A_251 : vector<16xf32> to vector<16xf32>
        %get3A_253 = arith.index_cast %add3A_249 : i32 to index
        %get3A_254 = tpu.vector_load %arg7[%get3A_253] {strides = array<i32>} : memref<10000xf32, #tpu.memory_space<vmem>>, vector<16xf32>,
        %get3A_255 = vector.shape_cast %get3A_254 : vector<16xf32> to vector<16xf32>
        %mul3A_256 = arith.mulf %get3A_252, %get3A_255 : vector<16xf32>
        %add3A_257 = arith.addf %add3A_230, %mul3A_256 : vector<16xf32>
        %get3A_258 = arith.index_cast %add3A_249 : i32 to index
        %get3A_259 = tpu.vector_load %arg8[%get3A_258] {strides = array<i32>} : memref<10000xf32, #tpu.memory_space<vmem>>, vector<16xf32>,
        %get3A_260 = vector.shape_cast %get3A_259 : vector<16xf32> to vector<16xf32>
        %mul3A_261 = arith.mulf %get3A_252, %get3A_260 : vector<16xf32>
        %add3A_262 = arith.addf %add3A_235, %mul3A_261 : vector<16xf32>
        %get3A_263 = arith.index_cast %add3A_249 : i32 to index
        %get3A_264 = tpu.vector_load %arg9[%get3A_263] {strides = array<i32>} : memref<10000xf32, #tpu.memory_space<vmem>>, vector<16xf32>,
        %get3A_265 = vector.shape_cast %get3A_264 : vector<16xf32> to vector<16xf32>
        %mul3A_266 = arith.mulf %get3A_252, %get3A_265 : vector<16xf32>
        %add3A_267 = arith.addf %add3A_240, %mul3A_266 : vector<16xf32>
        %get3A_268 = arith.index_cast %add3A_249 : i32 to index
        %get3A_269 = tpu.vector_load %arg10[%get3A_268] {strides = array<i32>} : memref<10000xf32, #tpu.memory_space<vmem>>, vector<16xf32>,
        %get3A_270 = vector.shape_cast %get3A_269 : vector<16xf32> to vector<16xf32>
        %mul3A_271 = arith.mulf %get3A_252, %get3A_270 : vector<16xf32>
        %add3A_272 = arith.addf %add3A_245, %mul3A_271 : vector<16xf32>
        %mul3A_273 = arith.constant 80 : i32
        %mul3A_274 = arith.muli %scan3A_161, %mul3A_273 : i32
        %add3A_275 = arith.constant 64 : i32
        %add3A_276 = arith.addi %mul3A_274, %add3A_275 : i32
        %get3A_277 = arith.index_cast %add3A_276 : i32 to index
        %get3A_278 = tpu.vector_load %arg5[%get3A_277] {strides = array<i32>} : memref<10000xf32, #tpu.memory_space<vmem>>, vector<16xf32>,
        %get3A_279 = vector.shape_cast %get3A_278 : vector<16xf32> to vector<16xf32>
        %get3A_280 = arith.index_cast %add3A_276 : i32 to index
        %get3A_281 = tpu.vector_load %arg7[%get3A_280] {strides = array<i32>} : memref<10000xf32, #tpu.memory_space<vmem>>, vector<16xf32>,
        %get3A_282 = vector.shape_cast %get3A_281 : vector<16xf32> to vector<16xf32>
        %mul3A_283 = arith.mulf %get3A_279, %get3A_282 : vector<16xf32>
        %add3A_284 = arith.addf %add3A_257, %mul3A_283 : vector<16xf32>
        %get3A_285 = arith.index_cast %add3A_276 : i32 to index
        %get3A_286 = tpu.vector_load %arg8[%get3A_285] {strides = array<i32>} : memref<10000xf32, #tpu.memory_space<vmem>>, vector<16xf32>,
        %get3A_287 = vector.shape_cast %get3A_286 : vector<16xf32> to vector<16xf32>
        %mul3A_288 = arith.mulf %get3A_279, %get3A_287 : vector<16xf32>
        %add3A_289 = arith.addf %add3A_262, %mul3A_288 : vector<16xf32>
        %get3A_290 = arith.index_cast %add3A_276 : i32 to index
        %get3A_291 = tpu.vector_load %arg9[%get3A_290] {strides = array<i32>} : memref<10000xf32, #tpu.memory_space<vmem>>, vector<16xf32>,
        %get3A_292 = vector.shape_cast %get3A_291 : vector<16xf32> to vector<16xf32>
        %mul3A_293 = arith.mulf %get3A_279, %get3A_292 : vector<16xf32>
        %add3A_294 = arith.addf %add3A_267, %mul3A_293 : vector<16xf32>
        %get3A_295 = arith.index_cast %add3A_276 : i32 to index
        %get3A_296 = tpu.vector_load %arg10[%get3A_295] {strides = array<i32>} : memref<10000xf32, #tpu.memory_space<vmem>>, vector<16xf32>,
        %get3A_297 = vector.shape_cast %get3A_296 : vector<16xf32> to vector<16xf32>
        %mul3A_298 = arith.mulf %get3A_279, %get3A_297 : vector<16xf32>
        %add3A_299 = arith.addf %add3A_272, %mul3A_298 : vector<16xf32>
        scf.yield %add3A_284, %add3A_289, %add3A_294, %add3A_299 : vector<16xf32>, vector<16xf32>, vector<16xf32>, vector<16xf32>
      }
      %scan3A_56 = arith.constant 125 : i32
      %mul3A_57 = arith.constant 4 : i32
      %mul3A_58 = arith.muli %mul3A_49, %mul3A_57 : i32
      %mul3A_59 = arith.constant 16 : i32
      %mul3A_60 = arith.muli %mul3A_58, %mul3A_59 : i32
      %swap3A = arith.index_cast %mul3A_60 : i32 to index
      %swap3A_61 = tpu.vector_load %arg11[%swap3A] {strides = array<i32>} : memref<1280xf32, #tpu.memory_space<vmem>>, vector<16xf32>,
      %swap3A_62 = vector.shape_cast %swap3A_61 : vector<16xf32> to vector<16xf32>
      %swap3A_63 = vector.shape_cast %scan3A_55#0 : vector<16xf32> to vector<16xf32>
      tpu.vector_store %arg11[%swap3A], %swap3A_63 {strides = array<i32>} : memref<1280xf32, #tpu.memory_space<vmem>>, vector<16xf32>,
      %mul3A_64 = arith.constant 4 : i32
      %mul3A_65 = arith.muli %mul3A_49, %mul3A_64 : i32
      %mul3A_66 = arith.constant 16 : i32
      %mul3A_67 = arith.muli %mul3A_65, %mul3A_66 : i32
      %add3A_68 = arith.constant 16 : i32
      %add3A_69 = arith.addi %mul3A_67, %add3A_68 : i32
      %swap3A_70 = arith.index_cast %add3A_69 : i32 to index
      %swap3A_71 = tpu.vector_load %arg11[%swap3A_70] {strides = array<i32>} : memref<1280xf32, #tpu.memory_space<vmem>>, vector<16xf32>,
      %swap3A_72 = vector.shape_cast %swap3A_71 : vector<16xf32> to vector<16xf32>
      %swap3A_73 = vector.shape_cast %scan3A_55#1 : vector<16xf32> to vector<16xf32>
      tpu.vector_store %arg11[%swap3A_70], %swap3A_73 {strides = array<i32>} : memref<1280xf32, #tpu.memory_space<vmem>>, vector<16xf32>,
      %mul3A_74 = arith.constant 4 : i32
      %mul3A_75 = arith.muli %mul3A_49, %mul3A_74 : i32
      %mul3A_76 = arith.constant 16 : i32
      %mul3A_77 = arith.muli %mul3A_75, %mul3A_76 : i32
      %add3A_78 = arith.constant 32 : i32
      %add3A_79 = arith.addi %mul3A_77, %add3A_78 : i32
      %swap3A_80 = arith.index_cast %add3A_79 : i32 to index
      %swap3A_81 = tpu.vector_load %arg11[%swap3A_80] {strides = array<i32>} : memref<1280xf32, #tpu.memory_space<vmem>>, vector<16xf32>,
      %swap3A_82 = vector.shape_cast %swap3A_81 : vector<16xf32> to vector<16xf32>
      %swap3A_83 = vector.shape_cast %scan3A_55#2 : vector<16xf32> to vector<16xf32>
      tpu.vector_store %arg11[%swap3A_80], %swap3A_83 {strides = array<i32>} : memref<1280xf32, #tpu.memory_space<vmem>>, vector<16xf32>,
      %mul3A_84 = arith.constant 4 : i32
      %mul3A_85 = arith.muli %mul3A_49, %mul3A_84 : i32
      %mul3A_86 = arith.constant 16 : i32
      %mul3A_87 = arith.muli %mul3A_85, %mul3A_86 : i32
      %add3A_88 = arith.constant 48 : i32
      %add3A_89 = arith.addi %mul3A_87, %add3A_88 : i32
      %swap3A_90 = arith.index_cast %add3A_89 : i32 to index
      %swap3A_91 = tpu.vector_load %arg11[%swap3A_90] {strides = array<i32>} : memref<1280xf32, #tpu.memory_space<vmem>>, vector<16xf32>,
      %swap3A_92 = vector.shape_cast %swap3A_91 : vector<16xf32> to vector<16xf32>
      %swap3A_93 = vector.shape_cast %scan3A_55#3 : vector<16xf32> to vector<16xf32>
      tpu.vector_store %arg11[%swap3A_90], %swap3A_93 {strides = array<i32>} : memref<1280xf32, #tpu.memory_space<vmem>>, vector<16xf32>,
      %add3A_94 = arith.constant 2 : i32
      %add3A_95 = arith.addi %add3A_33, %add3A_94 : i32
      %min3A = arith.constant 9999 : i32
      %min3A_96 = arith.minsi %add3A_95, %min3A : i32
      %dma_start3A_97 = arith.constant 0 : i32
      %dma_start3A_98 = tpu.memref_slice %arg2[%min3A_96, %dma_start3A_97] : memref<10000x10000xf32, #tpu.memory_space<hbm>> -> memref<1x10000xf32, #tpu.memory_space<hbm>>
      %dma_start3A_99 = tpu.memref_squeeze %dma_start3A_98 : memref<1x10000xf32, #tpu.memory_space<hbm>> -> memref<10000xf32, #tpu.memory_space<hbm>>
      %dma_start3A_100 = arith.constant 0 : i32
      %dma_start3A_101 = tpu.memref_slice %arg2[%min3A_96, %dma_start3A_100] : memref<10000x10000xf32, #tpu.memory_space<hbm>> -> memref<1x10000xf32, #tpu.memory_space<hbm>>
      %dma_start3A_102 = tpu.memref_squeeze %dma_start3A_101 : memref<1x10000xf32, #tpu.memory_space<hbm>> -> memref<10000xf32, #tpu.memory_space<hbm>>
      tpu.enqueue_dma source(%dma_start3A_102 : memref<10000xf32, #tpu.memory_space<hbm>>) target(%arg5 : memref<10000xf32, #tpu.memory_space<vmem>>) target_semaphore(%arg12 : memref<!tpu.dma_semaphore, #tpu.memory_space<semaphore_mem>>)
      %add3A_103 = arith.constant 1 : i32
      %add3A_104 = arith.addi %add3A_33, %add3A_103 : i32
      %dma_wait3A_105 = arith.constant 0 : i32
      %dma_wait3A_106 = tpu.memref_slice %arg2[%add3A_104, %dma_wait3A_105] : memref<10000x10000xf32, #tpu.memory_space<hbm>> -> memref<1x10000xf32, #tpu.memory_space<hbm>>
      %dma_wait3A_107 = tpu.memref_squeeze %dma_wait3A_106 : memref<1x10000xf32, #tpu.memory_space<hbm>> -> memref<10000xf32, #tpu.memory_space<hbm>>
      %dma_wait3A_108 = arith.constant 0 : i32
      %dma_wait3A_109 = tpu.memref_slice %arg2[%add3A_104, %dma_wait3A_108] : memref<10000x10000xf32, #tpu.memory_space<hbm>> -> memref<1x10000xf32, #tpu.memory_space<hbm>>
      %dma_wait3A_110 = tpu.memref_squeeze %dma_wait3A_109 : memref<1x10000xf32, #tpu.memory_space<hbm>> -> memref<10000xf32, #tpu.memory_space<hbm>>
      tpu.wait_dma2 semaphore(%arg13 : memref<!tpu.dma_semaphore, #tpu.memory_space<semaphore_mem>>) src(%dma_wait3A_110 : memref<10000xf32, #tpu.memory_space<hbm>>) dst(%arg6 : memref<10000xf32, #tpu.memory_space<vmem>>)
      %mul3A_111 = arith.constant 2 : i32
      %mul3A_112 = arith.muli %mul3A_111, %scan3A_30 : i32
      %add3A_113 = arith.constant 1 : i32
      %add3A_114 = arith.addi %mul3A_112, %add3A_113 : i32
      %broadcast_in_dim3A_115 = arith.constant 0.000000e+00 : f32
      %broadcast_in_dim3A_116 = vector.broadcast %broadcast_in_dim3A_115 : f32 to vector<16xf32>
      %scan3A_117 = arith.constant 0 : i32
      %scan3A_118 = arith.constant 125 : i32
      %scan3A_119 = arith.addi %scan3A_117, %scan3A_118 : i32
      %scan3A_120 = arith.constant 1 : i32
      %scan3A_121:4 = scf.for %scan3A_161 = %scan3A_117 to %scan3A_119 step %scan3A_120 iter_args(%scan3A_162 = %broadcast_in_dim3A_116, %scan3A_163 = %broadcast_in_dim3A_116, %scan3A_164 = %broadcast_in_dim3A_116, %scan3A_165 = %broadcast_in_dim3A_116) -> (vector<16xf32>, vector<16xf32>, vector<16xf32>, vector<16xf32>)  : i32 {
        %mul3A_166 = arith.constant 80 : i32
        %mul3A_167 = arith.muli %scan3A_161, %mul3A_166 : i32
        %add3A_168 = arith.constant 0 : i32
        %add3A_169 = arith.addi %mul3A_167, %add3A_168 : i32
        %get3A = arith.index_cast %add3A_169 : i32 to index
        %get3A_170 = tpu.vector_load %arg6[%get3A] {strides = array<i32>} : memref<10000xf32, #tpu.memory_space<vmem>>, vector<16xf32>,
        %get3A_171 = vector.shape_cast %get3A_170 : vector<16xf32> to vector<16xf32>
        %get3A_172 = arith.index_cast %add3A_169 : i32 to index
        %get3A_173 = tpu.vector_load %arg7[%get3A_172] {strides = array<i32>} : memref<10000xf32, #tpu.memory_space<vmem>>, vector<16xf32>,
        %get3A_174 = vector.shape_cast %get3A_173 : vector<16xf32> to vector<16xf32>
        %mul3A_175 = arith.mulf %get3A_171, %get3A_174 : vector<16xf32>
        %add3A_176 = arith.addf %scan3A_162, %mul3A_175 : vector<16xf32>
        %get3A_177 = arith.index_cast %add3A_169 : i32 to index
        %get3A_178 = tpu.vector_load %arg8[%get3A_177] {strides = array<i32>} : memref<10000xf32, #tpu.memory_space<vmem>>, vector<16xf32>,
        %get3A_179 = vector.shape_cast %get3A_178 : vector<16xf32> to vector<16xf32>
        %mul3A_180 = arith.mulf %get3A_171, %get3A_179 : vector<16xf32>
        %add3A_181 = arith.addf %scan3A_163, %mul3A_180 : vector<16xf32>
        %get3A_182 = arith.index_cast %add3A_169 : i32 to index
        %get3A_183 = tpu.vector_load %arg9[%get3A_182] {strides = array<i32>} : memref<10000xf32, #tpu.memory_space<vmem>>, vector<16xf32>,
        %get3A_184 = vector.shape_cast %get3A_183 : vector<16xf32> to vector<16xf32>
        %mul3A_185 = arith.mulf %get3A_171, %get3A_184 : vector<16xf32>
        %add3A_186 = arith.addf %scan3A_164, %mul3A_185 : vector<16xf32>
        %get3A_187 = arith.index_cast %add3A_169 : i32 to index
        %get3A_188 = tpu.vector_load %arg10[%get3A_187] {strides = array<i32>} : memref<10000xf32, #tpu.memory_space<vmem>>, vector<16xf32>,
        %get3A_189 = vector.shape_cast %get3A_188 : vector<16xf32> to vector<16xf32>
        %mul3A_190 = arith.mulf %get3A_171, %get3A_189 : vector<16xf32>
        %add3A_191 = arith.addf %scan3A_165, %mul3A_190 : vector<16xf32>
        %mul3A_192 = arith.constant 80 : i32
        %mul3A_193 = arith.muli %scan3A_161, %mul3A_192 : i32
        %add3A_194 = arith.constant 16 : i32
        %add3A_195 = arith.addi %mul3A_193, %add3A_194 : i32
        %get3A_196 = arith.index_cast %add3A_195 : i32 to index
        %get3A_197 = tpu.vector_load %arg6[%get3A_196] {strides = array<i32>} : memref<10000xf32, #tpu.memory_space<vmem>>, vector<16xf32>,
        %get3A_198 = vector.shape_cast %get3A_197 : vector<16xf32> to vector<16xf32>
        %get3A_199 = arith.index_cast %add3A_195 : i32 to index
        %get3A_200 = tpu.vector_load %arg7[%get3A_199] {strides = array<i32>} : memref<10000xf32, #tpu.memory_space<vmem>>, vector<16xf32>,
        %get3A_201 = vector.shape_cast %get3A_200 : vector<16xf32> to vector<16xf32>
        %mul3A_202 = arith.mulf %get3A_198, %get3A_201 : vector<16xf32>
        %add3A_203 = arith.addf %add3A_176, %mul3A_202 : vector<16xf32>
        %get3A_204 = arith.index_cast %add3A_195 : i32 to index
        %get3A_205 = tpu.vector_load %arg8[%get3A_204] {strides = array<i32>} : memref<10000xf32, #tpu.memory_space<vmem>>, vector<16xf32>,
        %get3A_206 = vector.shape_cast %get3A_205 : vector<16xf32> to vector<16xf32>
        %mul3A_207 = arith.mulf %get3A_198, %get3A_206 : vector<16xf32>
        %add3A_208 = arith.addf %add3A_181, %mul3A_207 : vector<16xf32>
        %get3A_209 = arith.index_cast %add3A_195 : i32 to index
        %get3A_210 = tpu.vector_load %arg9[%get3A_209] {strides = array<i32>} : memref<10000xf32, #tpu.memory_space<vmem>>, vector<16xf32>,
        %get3A_211 = vector.shape_cast %get3A_210 : vector<16xf32> to vector<16xf32>
        %mul3A_212 = arith.mulf %get3A_198, %get3A_211 : vector<16xf32>
        %add3A_213 = arith.addf %add3A_186, %mul3A_212 : vector<16xf32>
        %get3A_214 = arith.index_cast %add3A_195 : i32 to index
        %get3A_215 = tpu.vector_load %arg10[%get3A_214] {strides = array<i32>} : memref<10000xf32, #tpu.memory_space<vmem>>, vector<16xf32>,
        %get3A_216 = vector.shape_cast %get3A_215 : vector<16xf32> to vector<16xf32>
        %mul3A_217 = arith.mulf %get3A_198, %get3A_216 : vector<16xf32>
        %add3A_218 = arith.addf %add3A_191, %mul3A_217 : vector<16xf32>
        %mul3A_219 = arith.constant 80 : i32
        %mul3A_220 = arith.muli %scan3A_161, %mul3A_219 : i32
        %add3A_221 = arith.constant 32 : i32
        %add3A_222 = arith.addi %mul3A_220, %add3A_221 : i32
        %get3A_223 = arith.index_cast %add3A_222 : i32 to index
        %get3A_224 = tpu.vector_load %arg6[%get3A_223] {strides = array<i32>} : memref<10000xf32, #tpu.memory_space<vmem>>, vector<16xf32>,
        %get3A_225 = vector.shape_cast %get3A_224 : vector<16xf32> to vector<16xf32>
        %get3A_226 = arith.index_cast %add3A_222 : i32 to index
        %get3A_227 = tpu.vector_load %arg7[%get3A_226] {strides = array<i32>} : memref<10000xf32, #tpu.memory_space<vmem>>, vector<16xf32>,
        %get3A_228 = vector.shape_cast %get3A_227 : vector<16xf32> to vector<16xf32>
        %mul3A_229 = arith.mulf %get3A_225, %get3A_228 : vector<16xf32>
        %add3A_230 = arith.addf %add3A_203, %mul3A_229 : vector<16xf32>
        %get3A_231 = arith.index_cast %add3A_222 : i32 to index
        %get3A_232 = tpu.vector_load %arg8[%get3A_231] {strides = array<i32>} : memref<10000xf32, #tpu.memory_space<vmem>>, vector<16xf32>,
        %get3A_233 = vector.shape_cast %get3A_232 : vector<16xf32> to vector<16xf32>
        %mul3A_234 = arith.mulf %get3A_225, %get3A_233 : vector<16xf32>
        %add3A_235 = arith.addf %add3A_208, %mul3A_234 : vector<16xf32>
        %get3A_236 = arith.index_cast %add3A_222 : i32 to index
        %get3A_237 = tpu.vector_load %arg9[%get3A_236] {strides = array<i32>} : memref<10000xf32, #tpu.memory_space<vmem>>, vector<16xf32>,
        %get3A_238 = vector.shape_cast %get3A_237 : vector<16xf32> to vector<16xf32>
        %mul3A_239 = arith.mulf %get3A_225, %get3A_238 : vector<16xf32>
        %add3A_240 = arith.addf %add3A_213, %mul3A_239 : vector<16xf32>
        %get3A_241 = arith.index_cast %add3A_222 : i32 to index
        %get3A_242 = tpu.vector_load %arg10[%get3A_241] {strides = array<i32>} : memref<10000xf32, #tpu.memory_space<vmem>>, vector<16xf32>,
        %get3A_243 = vector.shape_cast %get3A_242 : vector<16xf32> to vector<16xf32>
        %mul3A_244 = arith.mulf %get3A_225, %get3A_243 : vector<16xf32>
        %add3A_245 = arith.addf %add3A_218, %mul3A_244 : vector<16xf32>
        %mul3A_246 = arith.constant 80 : i32
        %mul3A_247 = arith.muli %scan3A_161, %mul3A_246 : i32
        %add3A_248 = arith.constant 48 : i32
        %add3A_249 = arith.addi %mul3A_247, %add3A_248 : i32
        %get3A_250 = arith.index_cast %add3A_249 : i32 to index
        %get3A_251 = tpu.vector_load %arg6[%get3A_250] {strides = array<i32>} : memref<10000xf32, #tpu.memory_space<vmem>>, vector<16xf32>,
        %get3A_252 = vector.shape_cast %get3A_251 : vector<16xf32> to vector<16xf32>
        %get3A_253 = arith.index_cast %add3A_249 : i32 to index
        %get3A_254 = tpu.vector_load %arg7[%get3A_253] {strides = array<i32>} : memref<10000xf32, #tpu.memory_space<vmem>>, vector<16xf32>,
        %get3A_255 = vector.shape_cast %get3A_254 : vector<16xf32> to vector<16xf32>
        %mul3A_256 = arith.mulf %get3A_252, %get3A_255 : vector<16xf32>
        %add3A_257 = arith.addf %add3A_230, %mul3A_256 : vector<16xf32>
        %get3A_258 = arith.index_cast %add3A_249 : i32 to index
        %get3A_259 = tpu.vector_load %arg8[%get3A_258] {strides = array<i32>} : memref<10000xf32, #tpu.memory_space<vmem>>, vector<16xf32>,
        %get3A_260 = vector.shape_cast %get3A_259 : vector<16xf32> to vector<16xf32>
        %mul3A_261 = arith.mulf %get3A_252, %get3A_260 : vector<16xf32>
        %add3A_262 = arith.addf %add3A_235, %mul3A_261 : vector<16xf32>
        %get3A_263 = arith.index_cast %add3A_249 : i32 to index
        %get3A_264 = tpu.vector_load %arg9[%get3A_263] {strides = array<i32>} : memref<10000xf32, #tpu.memory_space<vmem>>, vector<16xf32>,
        %get3A_265 = vector.shape_cast %get3A_264 : vector<16xf32> to vector<16xf32>
        %mul3A_266 = arith.mulf %get3A_252, %get3A_265 : vector<16xf32>
        %add3A_267 = arith.addf %add3A_240, %mul3A_266 : vector<16xf32>
        %get3A_268 = arith.index_cast %add3A_249 : i32 to index
        %get3A_269 = tpu.vector_load %arg10[%get3A_268] {strides = array<i32>} : memref<10000xf32, #tpu.memory_space<vmem>>, vector<16xf32>,
        %get3A_270 = vector.shape_cast %get3A_269 : vector<16xf32> to vector<16xf32>
        %mul3A_271 = arith.mulf %get3A_252, %get3A_270 : vector<16xf32>
        %add3A_272 = arith.addf %add3A_245, %mul3A_271 : vector<16xf32>
        %mul3A_273 = arith.constant 80 : i32
        %mul3A_274 = arith.muli %scan3A_161, %mul3A_273 : i32
        %add3A_275 = arith.constant 64 : i32
        %add3A_276 = arith.addi %mul3A_274, %add3A_275 : i32
        %get3A_277 = arith.index_cast %add3A_276 : i32 to index
        %get3A_278 = tpu.vector_load %arg6[%get3A_277] {strides = array<i32>} : memref<10000xf32, #tpu.memory_space<vmem>>, vector<16xf32>,
        %get3A_279 = vector.shape_cast %get3A_278 : vector<16xf32> to vector<16xf32>
        %get3A_280 = arith.index_cast %add3A_276 : i32 to index
        %get3A_281 = tpu.vector_load %arg7[%get3A_280] {strides = array<i32>} : memref<10000xf32, #tpu.memory_space<vmem>>, vector<16xf32>,
        %get3A_282 = vector.shape_cast %get3A_281 : vector<16xf32> to vector<16xf32>
        %mul3A_283 = arith.mulf %get3A_279, %get3A_282 : vector<16xf32>
        %add3A_284 = arith.addf %add3A_257, %mul3A_283 : vector<16xf32>
        %get3A_285 = arith.index_cast %add3A_276 : i32 to index
        %get3A_286 = tpu.vector_load %arg8[%get3A_285] {strides = array<i32>} : memref<10000xf32, #tpu.memory_space<vmem>>, vector<16xf32>,
        %get3A_287 = vector.shape_cast %get3A_286 : vector<16xf32> to vector<16xf32>
        %mul3A_288 = arith.mulf %get3A_279, %get3A_287 : vector<16xf32>
        %add3A_289 = arith.addf %add3A_262, %mul3A_288 : vector<16xf32>
        %get3A_290 = arith.index_cast %add3A_276 : i32 to index
        %get3A_291 = tpu.vector_load %arg9[%get3A_290] {strides = array<i32>} : memref<10000xf32, #tpu.memory_space<vmem>>, vector<16xf32>,
        %get3A_292 = vector.shape_cast %get3A_291 : vector<16xf32> to vector<16xf32>
        %mul3A_293 = arith.mulf %get3A_279, %get3A_292 : vector<16xf32>
        %add3A_294 = arith.addf %add3A_267, %mul3A_293 : vector<16xf32>
        %get3A_295 = arith.index_cast %add3A_276 : i32 to index
        %get3A_296 = tpu.vector_load %arg10[%get3A_295] {strides = array<i32>} : memref<10000xf32, #tpu.memory_space<vmem>>, vector<16xf32>,
        %get3A_297 = vector.shape_cast %get3A_296 : vector<16xf32> to vector<16xf32>
        %mul3A_298 = arith.mulf %get3A_279, %get3A_297 : vector<16xf32>
        %add3A_299 = arith.addf %add3A_272, %mul3A_298 : vector<16xf32>
        scf.yield %add3A_284, %add3A_289, %add3A_294, %add3A_299 : vector<16xf32>, vector<16xf32>, vector<16xf32>, vector<16xf32>
      }
      %scan3A_122 = arith.constant 125 : i32
      %mul3A_123 = arith.constant 4 : i32
      %mul3A_124 = arith.muli %add3A_114, %mul3A_123 : i32
      %mul3A_125 = arith.constant 16 : i32
      %mul3A_126 = arith.muli %mul3A_124, %mul3A_125 : i32
      %swap3A_127 = arith.index_cast %mul3A_126 : i32 to index
      %swap3A_128 = tpu.vector_load %arg11[%swap3A_127] {strides = array<i32>} : memref<1280xf32, #tpu.memory_space<vmem>>, vector<16xf32>,
      %swap3A_129 = vector.shape_cast %swap3A_128 : vector<16xf32> to vector<16xf32>
      %swap3A_130 = vector.shape_cast %scan3A_121#0 : vector<16xf32> to vector<16xf32>
      tpu.vector_store %arg11[%swap3A_127], %swap3A_130 {strides = array<i32>} : memref<1280xf32, #tpu.memory_space<vmem>>, vector<16xf32>,
      %mul3A_131 = arith.constant 4 : i32
      %mul3A_132 = arith.muli %add3A_114, %mul3A_131 : i32
      %mul3A_133 = arith.constant 16 : i32
      %mul3A_134 = arith.muli %mul3A_132, %mul3A_133 : i32
      %add3A_135 = arith.constant 16 : i32
      %add3A_136 = arith.addi %mul3A_134, %add3A_135 : i32
      %swap3A_137 = arith.index_cast %add3A_136 : i32 to index
      %swap3A_138 = tpu.vector_load %arg11[%swap3A_137] {strides = array<i32>} : memref<1280xf32, #tpu.memory_space<vmem>>, vector<16xf32>,
      %swap3A_139 = vector.shape_cast %swap3A_138 : vector<16xf32> to vector<16xf32>
      %swap3A_140 = vector.shape_cast %scan3A_121#1 : vector<16xf32> to vector<16xf32>
      tpu.vector_store %arg11[%swap3A_137], %swap3A_140 {strides = array<i32>} : memref<1280xf32, #tpu.memory_space<vmem>>, vector<16xf32>,
      %mul3A_141 = arith.constant 4 : i32
      %mul3A_142 = arith.muli %add3A_114, %mul3A_141 : i32
      %mul3A_143 = arith.constant 16 : i32
      %mul3A_144 = arith.muli %mul3A_142, %mul3A_143 : i32
      %add3A_145 = arith.constant 32 : i32
      %add3A_146 = arith.addi %mul3A_144, %add3A_145 : i32
      %swap3A_147 = arith.index_cast %add3A_146 : i32 to index
      %swap3A_148 = tpu.vector_load %arg11[%swap3A_147] {strides = array<i32>} : memref<1280xf32, #tpu.memory_space<vmem>>, vector<16xf32>,
      %swap3A_149 = vector.shape_cast %swap3A_148 : vector<16xf32> to vector<16xf32>
      %swap3A_150 = vector.shape_cast %scan3A_121#2 : vector<16xf32> to vector<16xf32>
      tpu.vector_store %arg11[%swap3A_147], %swap3A_150 {strides = array<i32>} : memref<1280xf32, #tpu.memory_space<vmem>>, vector<16xf32>,
      %mul3A_151 = arith.constant 4 : i32
      %mul3A_152 = arith.muli %add3A_114, %mul3A_151 : i32
      %mul3A_153 = arith.constant 16 : i32
      %mul3A_154 = arith.muli %mul3A_152, %mul3A_153 : i32
      %add3A_155 = arith.constant 48 : i32
      %add3A_156 = arith.addi %mul3A_154, %add3A_155 : i32
      %swap3A_157 = arith.index_cast %add3A_156 : i32 to index
      %swap3A_158 = tpu.vector_load %arg11[%swap3A_157] {strides = array<i32>} : memref<1280xf32, #tpu.memory_space<vmem>>, vector<16xf32>,
      %swap3A_159 = vector.shape_cast %swap3A_158 : vector<16xf32> to vector<16xf32>
      %swap3A_160 = vector.shape_cast %scan3A_121#3 : vector<16xf32> to vector<16xf32>
      tpu.vector_store %arg11[%swap3A_157], %swap3A_160 {strides = array<i32>} : memref<1280xf32, #tpu.memory_space<vmem>>, vector<16xf32>,
    }
    %scan3A_17 = arith.constant 10 : i32
    %dma_wait3A = arith.constant 0 : i32
    %dma_wait3A_18 = arith.constant 0 : i32
    %dma_wait3A_19 = tpu.memref_slice %arg2[%dma_wait3A, %dma_wait3A_18] : memref<10000x10000xf32, #tpu.memory_space<hbm>> -> memref<1x10000xf32, #tpu.memory_space<hbm>>
    %dma_wait3A_20 = tpu.memref_squeeze %dma_wait3A_19 : memref<1x10000xf32, #tpu.memory_space<hbm>> -> memref<10000xf32, #tpu.memory_space<hbm>>
    %dma_wait3A_21 = arith.constant 0 : i32
    %dma_wait3A_22 = tpu.memref_slice %arg2[%dma_wait3A, %dma_wait3A_21] : memref<10000x10000xf32, #tpu.memory_space<hbm>> -> memref<1x10000xf32, #tpu.memory_space<hbm>>
    %dma_wait3A_23 = tpu.memref_squeeze %dma_wait3A_22 : memref<1x10000xf32, #tpu.memory_space<hbm>> -> memref<10000xf32, #tpu.memory_space<hbm>>
    tpu.wait_dma2 semaphore(%arg12 : memref<!tpu.dma_semaphore, #tpu.memory_space<semaphore_mem>>) src(%dma_wait3A_23 : memref<10000xf32, #tpu.memory_space<hbm>>) dst(%arg5 : memref<10000xf32, #tpu.memory_space<vmem>>)
    %mul3A_24 = arith.constant 20 : i32
    %mul3A_25 = arith.muli %add3A, %mul3A_24 : i32
    %mul3A_26 = arith.constant 4 : i32
    %mul3A_27 = arith.muli %mul3A_25, %mul3A_26 : i32
    %mul3A_28 = arith.constant 16 : i32
    %mul3A_29 = arith.muli %mul3A_27, %mul3A_28 : i32
    "tpu.region"() ({
      %run_scoped3A_30 = tpu.sem_alloc : memref<!tpu.dma_semaphore, #tpu.memory_space<semaphore_mem>>
      %dma_start3A_31 = tpu.memref_slice %arg4[%mul3A_29] : memref<40960xf32, #tpu.memory_space<hbm>> -> memref<1280xf32, #tpu.memory_space<hbm>>
      %dma_start3A_32 = tpu.memref_slice %arg4[%mul3A_29] : memref<40960xf32, #tpu.memory_space<hbm>> -> memref<1280xf32, #tpu.memory_space<hbm>>
      tpu.enqueue_dma source(%arg11 : memref<1280xf32, #tpu.memory_space<vmem>>) target(%dma_start3A_32 : memref<1280xf32, #tpu.memory_space<hbm>>) target_semaphore(%run_scoped3A_30 : memref<!tpu.dma_semaphore, #tpu.memory_space<semaphore_mem>>)
      %dma_wait3A_33 = tpu.memref_slice %arg4[%mul3A_29] : memref<40960xf32, #tpu.memory_space<hbm>> -> memref<1280xf32, #tpu.memory_space<hbm>>
      %dma_wait3A_34 = tpu.memref_slice %arg4[%mul3A_29] : memref<40960xf32, #tpu.memory_space<hbm>> -> memref<1280xf32, #tpu.memory_space<hbm>>
      tpu.wait_dma2 semaphore(%run_scoped3A_30 : memref<!tpu.dma_semaphore, #tpu.memory_space<semaphore_mem>>) src(%arg11 : memref<1280xf32, #tpu.memory_space<vmem>>) dst(%dma_wait3A_34 : memref<1280xf32, #tpu.memory_space<hbm>>)
      tpu.yield
    }) : () -> ()
    return
  }
}

module attributes {stable_mosaic.version = 14 : i64} {
  func.func @_body_kernel(%arg0: i32, %arg1: memref<10000x128xf32, #tpu.memory_space<vmem>>, %arg2: memref<128x4xf32, #tpu.memory_space<vmem>>, %arg3: memref<672x10000xf32, #tpu.memory_space<vmem>>, %arg4: memref<672x1xi32, #tpu.memory_space<vmem>>, %arg5: memref<4x64xf32, #tpu.memory_space<vmem>>, %arg6: memref<10000x4xf32, #tpu.memory_space<vmem>>, %arg7: memref<4x64xf32, #tpu.memory_space<vmem>>) attributes {dimension_semantics = [#tpu.dimension_semantics<arbitrary>], iteration_bounds = array<i64: 14>, scalar_prefetch = 0 : i64, scratch_operands = 2 : i64, tpu.core_type = #tpu.core_type<tc>, window_params = [{pipeline_mode = #tpu.pipeline_mode<synchronous>, transform_indices = @transform_0, window_bounds = array<i64: 10000, 128>}, {pipeline_mode = #tpu.pipeline_mode<synchronous>, transform_indices = @transform_1, window_bounds = array<i64: 128, 4>}, {transform_indices = @transform_2, window_bounds = array<i64: 672, 10000>}, {transform_indices = @transform_3, window_bounds = array<i64: 672, 1>}, {pipeline_mode = #tpu.pipeline_mode<synchronous>, transform_indices = @transform_4, window_bounds = array<i64: 4, 64>}]} {
    %eq3A = arith.constant 0 : i32
    %eq3A_0 = arith.cmpi eq, %arg0, %eq3A : i32
    %convert_element_type3A = arith.extui %eq3A_0 : i1 to i32
    %cond3A = arith.constant 0 : i32
    %cond3A_1 = arith.cmpi ne, %convert_element_type3A, %cond3A : i32
    scf.if %cond3A_1 {
      %get3A_62 = arith.constant 0 : index
      %get3A_63 = arith.constant 0 : index
      %get3A_64 = vector.load %arg1[%get3A_62, %get3A_63] : memref<10000x128xf32, #tpu.memory_space<vmem>>, vector<10000x128xf32>
      %get3A_65 = arith.constant 0 : index
      %get3A_66 = arith.constant 0 : index
      %get3A_67 = vector.load %arg2[%get3A_65, %get3A_66] : memref<128x4xf32, #tpu.memory_space<vmem>>, vector<128x4xf32>
      %dot_general3A_68 = arith.constant dense<0.000000e+00> : vector<10000x4xf32>
      %dot_general3A_69 = tpu.matmul %get3A_64, %get3A_67, %dot_general3A_68 {dimension_numbers = #tpu.dot_dimension_numbers<[1], [0], [0], [1], [0, 0, 1, 1], [], []>, transpose_lhs_hint = false} : vector<10000x128xf32>, vector<128x4xf32>, vector<10000x4xf32> -> vector<10000x4xf32>
      %swap3A_70 = arith.constant 0 : index
      %swap3A_71 = arith.constant 0 : index
      %swap3A_72 = vector.load %arg6[%swap3A_70, %swap3A_71] : memref<10000x4xf32, #tpu.memory_space<vmem>>, vector<10000x4xf32>
      tpu.vector_store %arg6[%swap3A_70, %swap3A_71], %dot_general3A_69 {strides = array<i32>} : memref<10000x4xf32, #tpu.memory_space<vmem>>, vector<10000x4xf32>,
      %broadcast_in_dim3A_73 = arith.constant 0.000000e+00 : f32
      %broadcast_in_dim3A_74 = vector.broadcast %broadcast_in_dim3A_73 : f32 to vector<4x64xf32>
      %swap3A_75 = arith.constant 0 : index
      %swap3A_76 = arith.constant 0 : index
      %swap3A_77 = vector.load %arg7[%swap3A_75, %swap3A_76] : memref<4x64xf32, #tpu.memory_space<vmem>>, vector<4x64xf32>
      tpu.vector_store %arg7[%swap3A_75, %swap3A_76], %broadcast_in_dim3A_74 {strides = array<i32>} : memref<4x64xf32, #tpu.memory_space<vmem>>, vector<4x64xf32>,
    } else {
    }
    %get3A = arith.constant 0 : index
    %get3A_2 = arith.constant 0 : index
    %get3A_3 = vector.load %arg3[%get3A, %get3A_2] : memref<672x10000xf32, #tpu.memory_space<vmem>>, vector<672x10000xf32>
    %get3A_4 = arith.constant 0 : index
    %get3A_5 = arith.constant 0 : index
    %get3A_6 = vector.load %arg6[%get3A_4, %get3A_5] : memref<10000x4xf32, #tpu.memory_space<vmem>>, vector<10000x4xf32>
    %dot_general3A = arith.constant dense<0.000000e+00> : vector<672x4xf32>
    %dot_general3A_7 = tpu.matmul %get3A_3, %get3A_6, %dot_general3A {dimension_numbers = #tpu.dot_dimension_numbers<[1], [0], [0], [1], [0, 0, 1, 1], [], []>, transpose_lhs_hint = false} : vector<672x10000xf32>, vector<10000x4xf32>, vector<672x4xf32> -> vector<672x4xf32>
    %max3A = arith.constant 0.000000e+00 : f32
    %max3A_8 = vector.broadcast %max3A : f32 to vector<672x4xf32>
    %max3A_9 = arith.maximumf %dot_general3A_7, %max3A_8 : vector<672x4xf32>
    %iota3A = tpu.iota {dimensions = array<i32: 1>} : vector<672x64xi32>
    %iota3A_10 = tpu.iota {dimensions = array<i32: 0>} : vector<672x64xi32>
    %mul3A = arith.constant 672 : i32
    %mul3A_11 = arith.muli %arg0, %mul3A : i32
    %add3A = vector.broadcast %mul3A_11 : i32 to vector<672x64xi32>
    %add3A_12 = arith.addi %iota3A_10, %add3A : vector<672x64xi32>
    %get3A_13 = arith.constant 0 : index
    %get3A_14 = arith.constant 0 : index
    %get3A_15 = vector.load %arg4[%get3A_13, %get3A_14] : memref<672x1xi32, #tpu.memory_space<vmem>>, vector<672x1xi32>
    %eq3A_16 = vector.broadcast %get3A_15 : vector<672x1xi32> to vector<672x64xi32>
    %eq3A_17 = arith.cmpi eq, %eq3A_16, %iota3A : vector<672x64xi32>
    %lt3A = arith.constant 10000 : i32
    %lt3A_18 = vector.broadcast %lt3A : i32 to vector<672x64xi32>
    %lt3A_19 = arith.cmpi slt, %add3A_12, %lt3A_18 : vector<672x64xi32>
    %and3A = arith.andi %eq3A_17, %lt3A_19 : vector<672x64xi1>
    %slice3A = vector.extract_strided_slice %max3A_9 {offsets = [0, 0], sizes = [672, 1], strides = [1, 1]} : vector<672x4xf32> to vector<672x1xf32>
    %jit3A = arith.constant 0.000000e+00 : f32
    %broadcast_in_dim3A = vector.shape_cast %slice3A : vector<672x1xf32> to vector<672x1xf32>
    %broadcast_in_dim3A_20 = vector.broadcast %broadcast_in_dim3A : vector<672x1xf32> to vector<672x64xf32>
    %broadcast_in_dim3A_21 = vector.broadcast %jit3A : f32 to vector<672x64xf32>
    %select_n3A = arith.select %and3A, %broadcast_in_dim3A_20, %broadcast_in_dim3A_21 : vector<672x64xi1>, vector<672x64xf32>
    %reduce_max3A = arith.constant dense<0xFF800000> : vector<64xf32>
    %reduce_max3A_22 = vector.multi_reduction <maximumf>, %select_n3A, %reduce_max3A [0] : vector<672x64xf32> to vector<64xf32>
    %broadcast_in_dim3A_23 = vector.shape_cast %reduce_max3A_22 : vector<64xf32> to vector<1x64xf32>
    %slice3A_24 = vector.extract_strided_slice %max3A_9 {offsets = [0, 1], sizes = [672, 1], strides = [1, 1]} : vector<672x4xf32> to vector<672x1xf32>
    %jit3A_25 = arith.constant 0.000000e+00 : f32
    %broadcast_in_dim3A_26 = vector.shape_cast %slice3A_24 : vector<672x1xf32> to vector<672x1xf32>
    %broadcast_in_dim3A_27 = vector.broadcast %broadcast_in_dim3A_26 : vector<672x1xf32> to vector<672x64xf32>
    %broadcast_in_dim3A_28 = vector.broadcast %jit3A_25 : f32 to vector<672x64xf32>
    %select_n3A_29 = arith.select %and3A, %broadcast_in_dim3A_27, %broadcast_in_dim3A_28 : vector<672x64xi1>, vector<672x64xf32>
    %reduce_max3A_30 = arith.constant dense<0xFF800000> : vector<64xf32>
    %reduce_max3A_31 = vector.multi_reduction <maximumf>, %select_n3A_29, %reduce_max3A_30 [0] : vector<672x64xf32> to vector<64xf32>
    %broadcast_in_dim3A_32 = vector.shape_cast %reduce_max3A_31 : vector<64xf32> to vector<1x64xf32>
    %slice3A_33 = vector.extract_strided_slice %max3A_9 {offsets = [0, 2], sizes = [672, 1], strides = [1, 1]} : vector<672x4xf32> to vector<672x1xf32>
    %jit3A_34 = arith.constant 0.000000e+00 : f32
    %broadcast_in_dim3A_35 = vector.shape_cast %slice3A_33 : vector<672x1xf32> to vector<672x1xf32>
    %broadcast_in_dim3A_36 = vector.broadcast %broadcast_in_dim3A_35 : vector<672x1xf32> to vector<672x64xf32>
    %broadcast_in_dim3A_37 = vector.broadcast %jit3A_34 : f32 to vector<672x64xf32>
    %select_n3A_38 = arith.select %and3A, %broadcast_in_dim3A_36, %broadcast_in_dim3A_37 : vector<672x64xi1>, vector<672x64xf32>
    %reduce_max3A_39 = arith.constant dense<0xFF800000> : vector<64xf32>
    %reduce_max3A_40 = vector.multi_reduction <maximumf>, %select_n3A_38, %reduce_max3A_39 [0] : vector<672x64xf32> to vector<64xf32>
    %broadcast_in_dim3A_41 = vector.shape_cast %reduce_max3A_40 : vector<64xf32> to vector<1x64xf32>
    %slice3A_42 = vector.extract_strided_slice %max3A_9 {offsets = [0, 3], sizes = [672, 1], strides = [1, 1]} : vector<672x4xf32> to vector<672x1xf32>
    %jit3A_43 = arith.constant 0.000000e+00 : f32
    %broadcast_in_dim3A_44 = vector.shape_cast %slice3A_42 : vector<672x1xf32> to vector<672x1xf32>
    %broadcast_in_dim3A_45 = vector.broadcast %broadcast_in_dim3A_44 : vector<672x1xf32> to vector<672x64xf32>
    %broadcast_in_dim3A_46 = vector.broadcast %jit3A_43 : f32 to vector<672x64xf32>
    %select_n3A_47 = arith.select %and3A, %broadcast_in_dim3A_45, %broadcast_in_dim3A_46 : vector<672x64xi1>, vector<672x64xf32>
    %reduce_max3A_48 = arith.constant dense<0xFF800000> : vector<64xf32>
    %reduce_max3A_49 = vector.multi_reduction <maximumf>, %select_n3A_47, %reduce_max3A_48 [0] : vector<672x64xf32> to vector<64xf32>
    %broadcast_in_dim3A_50 = vector.shape_cast %reduce_max3A_49 : vector<64xf32> to vector<1x64xf32>
    %concatenate3A = tpu.concatenate %broadcast_in_dim3A_23, %broadcast_in_dim3A_32, %broadcast_in_dim3A_41, %broadcast_in_dim3A_50 in 0 : vector<1x64xf32>, vector<1x64xf32>, vector<1x64xf32>, vector<1x64xf32> -> vector<4x64xf32>
    %get3A_51 = arith.constant 0 : index
    %get3A_52 = arith.constant 0 : index
    %get3A_53 = vector.load %arg7[%get3A_51, %get3A_52] : memref<4x64xf32, #tpu.memory_space<vmem>>, vector<4x64xf32>
    %max3A_54 = arith.maximumf %get3A_53, %concatenate3A : vector<4x64xf32>
    %swap3A = arith.constant 0 : index
    %swap3A_55 = arith.constant 0 : index
    %swap3A_56 = vector.load %arg7[%swap3A, %swap3A_55] : memref<4x64xf32, #tpu.memory_space<vmem>>, vector<4x64xf32>
    tpu.vector_store %arg7[%swap3A, %swap3A_55], %max3A_54 {strides = array<i32>} : memref<4x64xf32, #tpu.memory_space<vmem>>, vector<4x64xf32>,
    %eq3A_57 = arith.constant 13 : i32
    %eq3A_58 = arith.cmpi eq, %arg0, %eq3A_57 : i32
    %convert_element_type3A_59 = arith.extui %eq3A_58 : i1 to i32
    %cond3A_60 = arith.constant 0 : i32
    %cond3A_61 = arith.cmpi ne, %convert_element_type3A_59, %cond3A_60 : i32
    scf.if %cond3A_61 {
      %get3A_62 = arith.constant 0 : index
      %get3A_63 = arith.constant 0 : index
      %get3A_64 = vector.load %arg7[%get3A_62, %get3A_63] : memref<4x64xf32, #tpu.memory_space<vmem>>, vector<4x64xf32>
      %swap3A_65 = arith.constant 0 : index
      %swap3A_66 = arith.constant 0 : index
      %swap3A_67 = vector.load %arg5[%swap3A_65, %swap3A_66] : memref<4x64xf32, #tpu.memory_space<vmem>>, vector<4x64xf32>
      tpu.vector_store %arg5[%swap3A_65, %swap3A_66], %get3A_64 {strides = array<i32>} : memref<4x64xf32, #tpu.memory_space<vmem>>, vector<4x64xf32>,
    } else {
    }
    return
  }
  func.func @transform_0(%arg0: i32) -> (i32, i32) {
    %c0_i32 = arith.constant 0 : i32
    %c0_i32_0 = arith.constant 0 : i32
    %c0_i32_1 = arith.constant 0 : i32
    return %c0_i32, %c0_i32_0 : i32, i32
  }
  func.func @transform_1(%arg0: i32) -> (i32, i32) {
    %c0_i32 = arith.constant 0 : i32
    %c0_i32_0 = arith.constant 0 : i32
    %c0_i32_1 = arith.constant 0 : i32
    return %c0_i32, %c0_i32_0 : i32, i32
  }
  func.func @transform_2(%arg0: i32) -> (i32, i32) {
    %c0_i32 = arith.constant 0 : i32
    %c0_i32_0 = arith.constant 0 : i32
    return %arg0, %c0_i32 : i32, i32
  }
  func.func @transform_3(%arg0: i32) -> (i32, i32) {
    %c0_i32 = arith.constant 0 : i32
    %c0_i32_0 = arith.constant 0 : i32
    return %arg0, %c0_i32 : i32, i32
  }
  func.func @transform_4(%arg0: i32) -> (i32, i32) {
    %c0_i32 = arith.constant 0 : i32
    %c0_i32_0 = arith.constant 0 : i32
    %c0_i32_1 = arith.constant 0 : i32
    return %c0_i32, %c0_i32_0 : i32, i32
  }
}

module attributes {stable_mosaic.version = 14 : i64} {
  func.func @_xwt_kernel(%arg0: memref<128x4xf32, #tpu.memory_space<vmem>>, %arg1: memref<10000x128xf32, #tpu.memory_space<vmem>>, %arg2: memref<4x10000xf32, #tpu.memory_space<vmem>>) attributes {dimension_semantics = [], scalar_prefetch = 0 : i64, scratch_operands = 0 : i64, tpu.core_type = #tpu.core_type<tc>} {
    %get3A = arith.constant 0 : index
    %get3A_0 = arith.constant 0 : index
    %get3A_1 = vector.load %arg0[%get3A, %get3A_0] : memref<128x4xf32, #tpu.memory_space<vmem>>, vector<128x4xf32>
    %get3A_2 = arith.constant 0 : index
    %get3A_3 = arith.constant 0 : index
    %get3A_4 = vector.load %arg1[%get3A_2, %get3A_3] : memref<10000x128xf32, #tpu.memory_space<vmem>>, vector<10000x128xf32>
    %dot_general3A = arith.constant dense<0.000000e+00> : vector<4x10000xf32>
    %dot_general3A_5 = tpu.matmul %get3A_1, %get3A_4, %dot_general3A {dimension_numbers = #tpu.dot_dimension_numbers<[0], [1], [1], [0], [0, 1, 1, 0], [], []>, transpose_lhs_hint = false} : vector<128x4xf32>, vector<10000x128xf32>, vector<4x10000xf32> -> vector<4x10000xf32>
    %swap3A = arith.constant 0 : index
    %swap3A_6 = arith.constant 0 : index
    %swap3A_7 = vector.load %arg2[%swap3A, %swap3A_6] : memref<4x10000xf32, #tpu.memory_space<vmem>>, vector<4x10000xf32>
    tpu.vector_store %arg2[%swap3A, %swap3A_6], %dot_general3A_5 {strides = array<i32>} : memref<4x10000xf32, #tpu.memory_space<vmem>>, vector<4x10000xf32>,
    return
  }
}

module attributes {stable_mosaic.version = 14 : i64} {
  func.func @_merge_kernel(%arg0: memref<4x64xf32, #tpu.memory_space<vmem>>, %arg1: memref<640x64xf32, #tpu.memory_space<vmem>>, %arg2: memref<640x1xi32, #tpu.memory_space<vmem>>, %arg3: memref<4x512xf32, #tpu.memory_space<vmem>>, %arg4: memref<1x512xf32, #tpu.memory_space<vmem>>, %arg5: memref<512x10xf32, #tpu.memory_space<vmem>>, %arg6: memref<1x10xf32, #tpu.memory_space<vmem>>, %arg7: memref<64x10xf32, #tpu.memory_space<vmem>>) attributes {dimension_semantics = [], scalar_prefetch = 0 : i64, scratch_operands = 0 : i64, tpu.core_type = #tpu.core_type<tc>} {
    %iota3A = tpu.iota {dimensions = array<i32: 0>} : vector<64x4xi32>
    %jit3A = arith.constant 16 : i32
    %div3A = vector.broadcast %jit3A : i32 to vector<64x4xi32>
    %div3A_0 = arith.divsi %iota3A, %div3A : vector<64x4xi32>
    %sign3A = arith.constant 0 : i32
    %sign3A_1 = vector.broadcast %sign3A : i32 to vector<64x4xi32>
    %sign3A_2 = arith.cmpi sgt, %iota3A, %sign3A_1 : vector<64x4xi32>
    %sign3A_3 = arith.extui %sign3A_2 : vector<64x4xi1> to vector<64x4xi32>
    %sign3A_4 = arith.constant 0 : i32
    %sign3A_5 = vector.broadcast %sign3A_4 : i32 to vector<64x4xi32>
    %sign3A_6 = arith.cmpi slt, %iota3A, %sign3A_5 : vector<64x4xi32>
    %sign3A_7 = arith.extui %sign3A_6 : vector<64x4xi1> to vector<64x4xi32>
    %sign3A_8 = arith.subi %sign3A_3, %sign3A_7 : vector<64x4xi32>
    %sign3A_9 = arith.constant 0 : i32
    %sign3A_10 = arith.cmpi sgt, %jit3A, %sign3A_9 : i32
    %sign3A_11 = arith.extui %sign3A_10 : i1 to i32
    %sign3A_12 = arith.constant 0 : i32
    %sign3A_13 = arith.cmpi slt, %jit3A, %sign3A_12 : i32
    %sign3A_14 = arith.extui %sign3A_13 : i1 to i32
    %sign3A_15 = arith.subi %sign3A_11, %sign3A_14 : i32
    %ne3A = vector.broadcast %sign3A_15 : i32 to vector<64x4xi32>
    %ne3A_16 = arith.cmpi ne, %sign3A_8, %ne3A : vector<64x4xi32>
    %rem3A = vector.broadcast %jit3A : i32 to vector<64x4xi32>
    %rem3A_17 = arith.remsi %iota3A, %rem3A : vector<64x4xi32>
    %ne3A_18 = arith.constant 0 : i32
    %ne3A_19 = vector.broadcast %ne3A_18 : i32 to vector<64x4xi32>
    %ne3A_20 = arith.cmpi ne, %rem3A_17, %ne3A_19 : vector<64x4xi32>
    %and3A = arith.andi %ne3A_16, %ne3A_20 : vector<64x4xi1>
    %sub3A = arith.constant 1 : i32
    %sub3A_21 = vector.broadcast %sub3A : i32 to vector<64x4xi32>
    %sub3A_22 = arith.subi %div3A_0, %sub3A_21 : vector<64x4xi32>
    %select_n3A = arith.select %and3A, %sub3A_22, %div3A_0 : vector<64x4xi1>, vector<64x4xi32>
    %iota3A_23 = tpu.iota {dimensions = array<i32: 1>} : vector<64x4xi32>
    %eq3A = arith.cmpi eq, %select_n3A, %iota3A_23 : vector<64x4xi32>
    %jit3A_24 = arith.constant 1.000000e+00 : f32
    %jit3A_25 = arith.constant 0.000000e+00 : f32
    %broadcast_in_dim3A = vector.broadcast %jit3A_24 : f32 to vector<64x4xf32>
    %broadcast_in_dim3A_26 = vector.broadcast %jit3A_25 : f32 to vector<64x4xf32>
    %select_n3A_27 = arith.select %eq3A, %broadcast_in_dim3A, %broadcast_in_dim3A_26 : vector<64x4xi1>, vector<64x4xf32>
    %get3A = arith.constant 0 : index
    %get3A_28 = arith.constant 0 : index
    %get3A_29 = vector.load %arg1[%get3A, %get3A_28] : memref<640x64xf32, #tpu.memory_space<vmem>>, vector<640x64xf32>
    %dot_general3A = arith.constant dense<0.000000e+00> : vector<640x4xf32>
    %dot_general3A_30 = tpu.matmul %get3A_29, %select_n3A_27, %dot_general3A {dimension_numbers = #tpu.dot_dimension_numbers<[1], [0], [0], [1], [0, 0, 1, 1], [], []>, transpose_lhs_hint = false} : vector<640x64xf32>, vector<64x4xf32>, vector<640x4xf32> -> vector<640x4xf32>
    %max3A = arith.constant 0.000000e+00 : f32
    %max3A_31 = vector.broadcast %max3A : f32 to vector<640x4xf32>
    %max3A_32 = arith.maximumf %dot_general3A_30, %max3A_31 : vector<640x4xf32>
    %iota3A_33 = tpu.iota {dimensions = array<i32: 1>} : vector<640x64xi32>
    %get3A_34 = arith.constant 0 : index
    %get3A_35 = arith.constant 0 : index
    %get3A_36 = vector.load %arg2[%get3A_34, %get3A_35] : memref<640x1xi32, #tpu.memory_space<vmem>>, vector<640x1xi32>
    %eq3A_37 = vector.broadcast %get3A_36 : vector<640x1xi32> to vector<640x64xi32>
    %eq3A_38 = arith.cmpi eq, %eq3A_37, %iota3A_33 : vector<640x64xi32>
    %slice3A = vector.extract_strided_slice %max3A_32 {offsets = [0, 0], sizes = [640, 1], strides = [1, 1]} : vector<640x4xf32> to vector<640x1xf32>
    %jit3A_39 = arith.constant 0.000000e+00 : f32
    %broadcast_in_dim3A_40 = vector.shape_cast %slice3A : vector<640x1xf32> to vector<640x1xf32>
    %broadcast_in_dim3A_41 = vector.broadcast %broadcast_in_dim3A_40 : vector<640x1xf32> to vector<640x64xf32>
    %broadcast_in_dim3A_42 = vector.broadcast %jit3A_39 : f32 to vector<640x64xf32>
    %select_n3A_43 = arith.select %eq3A_38, %broadcast_in_dim3A_41, %broadcast_in_dim3A_42 : vector<640x64xi1>, vector<640x64xf32>
    %reduce_max3A = arith.constant dense<0xFF800000> : vector<64xf32>
    %reduce_max3A_44 = vector.multi_reduction <maximumf>, %select_n3A_43, %reduce_max3A [0] : vector<640x64xf32> to vector<64xf32>
    %broadcast_in_dim3A_45 = vector.shape_cast %reduce_max3A_44 : vector<64xf32> to vector<1x64xf32>
    %slice3A_46 = vector.extract_strided_slice %max3A_32 {offsets = [0, 1], sizes = [640, 1], strides = [1, 1]} : vector<640x4xf32> to vector<640x1xf32>
    %jit3A_47 = arith.constant 0.000000e+00 : f32
    %broadcast_in_dim3A_48 = vector.shape_cast %slice3A_46 : vector<640x1xf32> to vector<640x1xf32>
    %broadcast_in_dim3A_49 = vector.broadcast %broadcast_in_dim3A_48 : vector<640x1xf32> to vector<640x64xf32>
    %broadcast_in_dim3A_50 = vector.broadcast %jit3A_47 : f32 to vector<640x64xf32>
    %select_n3A_51 = arith.select %eq3A_38, %broadcast_in_dim3A_49, %broadcast_in_dim3A_50 : vector<640x64xi1>, vector<640x64xf32>
    %reduce_max3A_52 = arith.constant dense<0xFF800000> : vector<64xf32>
    %reduce_max3A_53 = vector.multi_reduction <maximumf>, %select_n3A_51, %reduce_max3A_52 [0] : vector<640x64xf32> to vector<64xf32>
    %broadcast_in_dim3A_54 = vector.shape_cast %reduce_max3A_53 : vector<64xf32> to vector<1x64xf32>
    %slice3A_55 = vector.extract_strided_slice %max3A_32 {offsets = [0, 2], sizes = [640, 1], strides = [1, 1]} : vector<640x4xf32> to vector<640x1xf32>
    %jit3A_56 = arith.constant 0.000000e+00 : f32
    %broadcast_in_dim3A_57 = vector.shape_cast %slice3A_55 : vector<640x1xf32> to vector<640x1xf32>
    %broadcast_in_dim3A_58 = vector.broadcast %broadcast_in_dim3A_57 : vector<640x1xf32> to vector<640x64xf32>
    %broadcast_in_dim3A_59 = vector.broadcast %jit3A_56 : f32 to vector<640x64xf32>
    %select_n3A_60 = arith.select %eq3A_38, %broadcast_in_dim3A_58, %broadcast_in_dim3A_59 : vector<640x64xi1>, vector<640x64xf32>
    %reduce_max3A_61 = arith.constant dense<0xFF800000> : vector<64xf32>
    %reduce_max3A_62 = vector.multi_reduction <maximumf>, %select_n3A_60, %reduce_max3A_61 [0] : vector<640x64xf32> to vector<64xf32>
    %broadcast_in_dim3A_63 = vector.shape_cast %reduce_max3A_62 : vector<64xf32> to vector<1x64xf32>
    %slice3A_64 = vector.extract_strided_slice %max3A_32 {offsets = [0, 3], sizes = [640, 1], strides = [1, 1]} : vector<640x4xf32> to vector<640x1xf32>
    %jit3A_65 = arith.constant 0.000000e+00 : f32
    %broadcast_in_dim3A_66 = vector.shape_cast %slice3A_64 : vector<640x1xf32> to vector<640x1xf32>
    %broadcast_in_dim3A_67 = vector.broadcast %broadcast_in_dim3A_66 : vector<640x1xf32> to vector<640x64xf32>
    %broadcast_in_dim3A_68 = vector.broadcast %jit3A_65 : f32 to vector<640x64xf32>
    %select_n3A_69 = arith.select %eq3A_38, %broadcast_in_dim3A_67, %broadcast_in_dim3A_68 : vector<640x64xi1>, vector<640x64xf32>
    %reduce_max3A_70 = arith.constant dense<0xFF800000> : vector<64xf32>
    %reduce_max3A_71 = vector.multi_reduction <maximumf>, %select_n3A_69, %reduce_max3A_70 [0] : vector<640x64xf32> to vector<64xf32>
    %broadcast_in_dim3A_72 = vector.shape_cast %reduce_max3A_71 : vector<64xf32> to vector<1x64xf32>
    %concatenate3A = tpu.concatenate %broadcast_in_dim3A_45, %broadcast_in_dim3A_54, %broadcast_in_dim3A_63, %broadcast_in_dim3A_72 in 0 : vector<1x64xf32>, vector<1x64xf32>, vector<1x64xf32>, vector<1x64xf32> -> vector<4x64xf32>
    %get3A_73 = arith.constant 0 : index
    %get3A_74 = arith.constant 0 : index
    %get3A_75 = vector.load %arg0[%get3A_73, %get3A_74] : memref<4x64xf32, #tpu.memory_space<vmem>>, vector<4x64xf32>
    %max3A_76 = arith.maximumf %get3A_75, %concatenate3A : vector<4x64xf32>
    %get3A_77 = arith.constant 0 : index
    %get3A_78 = arith.constant 0 : index
    %get3A_79 = vector.load %arg3[%get3A_77, %get3A_78] : memref<4x512xf32, #tpu.memory_space<vmem>>, vector<4x512xf32>
    %dot_general3A_80 = arith.constant dense<0.000000e+00> : vector<64x512xf32>
    %dot_general3A_81 = tpu.matmul %max3A_76, %get3A_79, %dot_general3A_80 {dimension_numbers = #tpu.dot_dimension_numbers<[0], [0], [1], [1], [0, 1, 1, 1], [], []>, transpose_lhs_hint = false} : vector<4x64xf32>, vector<4x512xf32>, vector<64x512xf32> -> vector<64x512xf32>
    %get3A_82 = arith.constant 0 : index
    %get3A_83 = arith.constant 0 : index
    %get3A_84 = vector.load %arg4[%get3A_82, %get3A_83] : memref<1x512xf32, #tpu.memory_space<vmem>>, vector<1x512xf32>
    %add3A = vector.broadcast %get3A_84 : vector<1x512xf32> to vector<64x512xf32>
    %add3A_85 = arith.addf %dot_general3A_81, %add3A : vector<64x512xf32>
    %max3A_86 = arith.constant 0.000000e+00 : f32
    %max3A_87 = vector.broadcast %max3A_86 : f32 to vector<64x512xf32>
    %max3A_88 = arith.maximumf %add3A_85, %max3A_87 : vector<64x512xf32>
    %get3A_89 = arith.constant 0 : index
    %get3A_90 = arith.constant 0 : index
    %get3A_91 = vector.load %arg5[%get3A_89, %get3A_90] : memref<512x10xf32, #tpu.memory_space<vmem>>, vector<512x10xf32>
    %dot_general3A_92 = arith.constant dense<0.000000e+00> : vector<64x10xf32>
    %dot_general3A_93 = tpu.matmul %max3A_88, %get3A_91, %dot_general3A_92 {dimension_numbers = #tpu.dot_dimension_numbers<[1], [0], [0], [1], [0, 0, 1, 1], [], []>, transpose_lhs_hint = false} : vector<64x512xf32>, vector<512x10xf32>, vector<64x10xf32> -> vector<64x10xf32>
    %get3A_94 = arith.constant 0 : index
    %get3A_95 = arith.constant 0 : index
    %get3A_96 = vector.load %arg6[%get3A_94, %get3A_95] : memref<1x10xf32, #tpu.memory_space<vmem>>, vector<1x10xf32>
    %add3A_97 = vector.broadcast %get3A_96 : vector<1x10xf32> to vector<64x10xf32>
    %add3A_98 = arith.addf %dot_general3A_93, %add3A_97 : vector<64x10xf32>
    %reduce_max3A_99 = arith.constant dense<0xFF800000> : vector<64xf32>
    %reduce_max3A_100 = vector.multi_reduction <maximumf>, %add3A_98, %reduce_max3A_99 [1] : vector<64x10xf32> to vector<64xf32>
    %broadcast_in_dim3A_101 = vector.shape_cast %reduce_max3A_100 : vector<64xf32> to vector<64x1xf32>
    %sub3A_102 = vector.broadcast %broadcast_in_dim3A_101 : vector<64x1xf32> to vector<64x10xf32>
    %sub3A_103 = arith.subf %add3A_98, %sub3A_102 : vector<64x10xf32>
    %exp3A = math.exp %sub3A_103 : vector<64x10xf32>
    %reduce_sum3A = arith.constant dense<0.000000e+00> : vector<64xf32>
    %reduce_sum3A_104 = vector.multi_reduction <add>, %exp3A, %reduce_sum3A [1] : vector<64x10xf32> to vector<64xf32>
    %broadcast_in_dim3A_105 = vector.shape_cast %reduce_sum3A_104 : vector<64xf32> to vector<64x1xf32>
    %div3A_106 = vector.broadcast %broadcast_in_dim3A_105 : vector<64x1xf32> to vector<64x10xf32>
    %div3A_107 = arith.divf %exp3A, %div3A_106 : vector<64x10xf32>
    %swap3A = arith.constant 0 : index
    %swap3A_108 = arith.constant 0 : index
    %swap3A_109 = vector.load %arg7[%swap3A, %swap3A_108] : memref<64x10xf32, #tpu.memory_space<vmem>>, vector<64x10xf32>
    tpu.vector_store %arg7[%swap3A, %swap3A_108], %div3A_107 {strides = array<i32>} : memref<64x10xf32, #tpu.memory_space<vmem>>, vector<64x10xf32>,
    return
  }
}

</mosaic_0001>

<sc_bundles>
// kernel: _run.6.cloned.1.call-start
scs
__scs_entry_jumppad:
0x0: {  	(pc) =	sbr.rel $0x88, $3  }
0x1: {  	(tag) =	ssettag $0x0;
	lr =	simm.s32 $0x1  }
0x2: {  	[smem:$0x3F99] =	sst lr;
	_ =	strace $0xD0000000  }
0x3: {  	_ = 	snop  }
0x4: {  	_ = 	snop  }
0x5: {  	_ = 	snop  }
0x6: {  	_ = 	snop  }
0x7: {  	_ = 	snop  }
__scs_overlays_trampoline_lowered:
0x8: {  	[smem:$0x3FA8] =	sst s0  }
0x9: {  	[smem:$0x3FA9] =	sst s1  }
0xa: {  	[smem:$0x3FAA] =	sst s2  }
0xb: {  	[smem:$0x3FAB] =	sst s3  }
0xc: {  	[smem:$0x3FAC] =	sst s4  }
0xd: {  	[smem:$0x3FAD] =	sst s5  }
0xe: {  	[smem:$0x3FAE] =	sst s6  }
0xf: {  	[smem:$0x3FAF] =	sst s7  }
0x10: {  	[smem:$0x3FB0] =	sst s8  }
0x11: {  	[smem:$0x3FB1] =	sst s9;
	s0 =	simm.s32 @!p0 $0x0  }
0x12: {  	s1 =	sld [smem:$0x3F97];
	s0 =	simm.s32 @p0 $0x1  }
0x13: {  	[smem:$0x3FB2] =	sst s0;
	s0 =	simm.s32 @!p1 $0x0  }
0x14: {  	s2 =	sld [smem:$0x3F96];
	s0 =	simm.s32 @p1 $0x1  }
0x15: {  	[smem:$0x3FB3] =	sst s0;
	s0 =	simm.s32 @!p2 $0x0  }
0x16: {  	s3 =	sld [smem:$0x3FDB];
	s0 =	simm.s32 @p2 $0x1  }
0x17: {  	s4 =	simm.s32 $0x1BF5;
	[smem:$0x3FB5] =	sst s0  }
0x18: {  	s0 =	sld [smem:$0x3F98];
	_ =	swait.ge [sflag:s4], $0x0  }
0x19: {  	s7 =	sld [smem:$0x3F99]  }
0x1a: {  	s8 =	sadd.s32 $0xFFFFE003, lr  }
0x1b: {  	s9 =	sadd.s32 $0xFFFFFEF7, lr;
	s5 =	simm.s32 $0xFFFFFFFF;
	p2 =	slt.u32 s8, $0xFFFFF086  }
0x1c: {  	p1 =	slt.u32 s9, $0xF7A;
	s5 =	simm.s32 @!p2 $0x0  }
0x1d: {  	s5 =	simm.s32 @p1 $0x1;
	p0 =	seq.s32 s7, s2  }
0x1e: {  	s7 =	smul.u32 @!p0 $0xF7A, s2;
	p2 =	seq.s32 @!p0 s5, $0x0  }
0x1f: {  	s9 =	smul.u32 $0xF7A, s1;
	s8 =	simm.s32 @!p0 $0x1BF5;
	p2 =	por !p2, p0  }
0x20: {  	[sflag:s8] =	ssyncset.s32 @!p0 $0xFFFFF086;
	s6 =	sadd.s32 @!p0 s3, s7;
	s7 =	simm.s32 @!p0 $0x108  }
0x21: {  	s3 =	sadd.s32 s3, s9;
	s6 =	sadd.s32 @!p0 $0x88, s6;
	s7 =	simm.s32 @p2 $0x1082  }
0x22: {  	[simem:s7], [sflag:s8] =	dma.local @!p0 [hbm:s6], $0xF7A  }
0x23: {  	s9 =	sor.u32 $0xD0000000, s2;
	s6 =	simm.s32 $0x108;
	_ =	swait.ge @!p0 [sflag:s8], $0x0  }
0x24: {  	s3 =	sadd.s32 $0x88, s3;
	s6 =	simm.s32 @!p1 $0x1082;
	[sflag:s4] =	ssyncset.s32 $0xFFFFF086  }
0x25: {  	[simem:s6], [sflag:s4] =	dma.local [hbm:s3], $0xF7A  }
0x26: {  	[smem:$0x3F99] =	sst s1;
	(tag) =	ssettag s2;
	_ =	strace s9  }
0x27: {  	s1 =	sld [smem:$0x3FA9]  }
0x28: {  	s2 =	sld [smem:$0x3FAA]  }
0x29: {  	s4 =	sld [smem:$0x3FAC]  }
0x2a: {  	p0 =	seq.s32 s5, $0x0;
	s5 =	sld [smem:$0x3FAD]  }
0x2b: {  	s6 =	sld [smem:$0x3FAE]  }
0x2c: {  	s7 =	sld [smem:$0x3FAF]  }
0x2d: {  	s3 =	simm.s32 $0x108;
	s8 =	sld [smem:$0x3FB0]  }
0x2e: {  	s3 =	simm.s32 @!p0 $0x1082;
	s9 =	sld [smem:$0x3FB1]  }
0x2f: {  	lr =	sadd.s32 s0, s3;
	s0 =	sld [smem:$0x3FA8]  }
0x30: {  	s3 =	sld [smem:$0x3FAB]  }
0x31: {  	[smem:$0x3FB4] =	sst s10  }
0x32: {  	s10 =	sld [smem:$0x3FB2];
	_ =	sdelay $0x3  }
0x33: {  	p0 =	seq.s32 s10, $0x1;
	s10 =	sld [smem:$0x3FB4];
	_ =	sdelay $0x3  }
0x34: {  	[smem:$0x3FB4] =	sst s10  }
0x35: {  	s10 =	sld [smem:$0x3FB3];
	_ =	sdelay $0x3  }
0x36: {  	p1 =	seq.s32 s10, $0x1;
	s10 =	sld [smem:$0x3FB4];
	_ =	sdelay $0x3  }
0x37: {  	[smem:$0x3FB4] =	sst s10  }
0x38: {  	s10 =	sld [smem:$0x3FB5]  }
0x39: {  	_ = 	snop;
	(pc) =	sbr.ind lr, $3  }
0x3a: {  	_ = 	snop  }
0x3b: {  	_ = 	snop  }
0x3c: {  	p2 =	seq.s32 s10, $0x1;
	s10 =	sld [smem:$0x3FB4]  }
0x3d: {  	_ =	shalt  }
0x3e: {  	_ =	shalt  }
0x3f: {  	_ =	shalt  }
0x40: {  	_ =	shalt  }
0x41: {  	_ =	shalt  }
0x42: {  	_ =	shalt  }
0x43: {  	_ =	shalt  }
0x44: {  	_ =	shalt  }
0x45: {  	_ =	shalt  }
0x46: {  	_ =	shalt  }
0x47: {  	_ =	shalt  }
0x48: {  	_ =	shalt  }
0x49: {  	_ =	shalt  }
0x4a: {  	_ =	shalt  }
0x4b: {  	_ =	shalt  }
0x4c: {  	_ =	shalt  }
0x4d: {  	_ =	shalt  }
0x4e: {  	_ =	shalt  }
0x4f: {  	_ =	shalt  }
0x50: {  	_ =	shalt  }
0x51: {  	_ =	shalt  }
0x52: {  	_ =	shalt  }
0x53: {  	_ =	shalt  }
0x54: {  	_ =	shalt  }
0x55: {  	_ =	shalt  }
0x56: {  	_ =	shalt  }
0x57: {  	_ =	shalt  }
0x58: {  	_ =	shalt  }
0x59: {  	_ =	shalt  }
0x5a: {  	_ =	shalt  }
0x5b: {  	_ =	shalt  }
0x5c: {  	_ =	shalt  }
0x5d: {  	_ =	shalt  }
0x5e: {  	_ =	shalt  }
0x5f: {  	_ =	shalt  }
0x60: {  	_ =	shalt  }
0x61: {  	_ =	shalt  }
0x62: {  	_ =	shalt  }
0x63: {  	_ =	shalt  }
0x64: {  	_ =	shalt  }
0x65: {  	_ =	shalt  }
0x66: {  	_ =	shalt  }
0x67: {  	_ =	shalt  }
0x68: {  	_ =	shalt  }
0x69: {  	_ =	shalt  }
0x6a: {  	_ =	shalt  }
0x6b: {  	_ =	shalt  }
0x6c: {  	_ =	shalt  }
0x6d: {  	_ =	shalt  }
0x6e: {  	_ =	shalt  }
0x6f: {  	_ =	shalt  }
0x70: {  	_ =	shalt  }
0x71: {  	_ =	shalt  }
0x72: {  	_ =	shalt  }
0x73: {  	_ =	shalt  }
0x74: {  	_ =	shalt  }
0x75: {  	_ =	shalt  }
0x76: {  	_ =	shalt  }
0x77: {  	_ =	shalt  }
0x78: {  	_ =	shalt  }
0x79: {  	_ =	shalt  }
0x7a: {  	_ =	shalt  }
0x7b: {  	_ =	shalt  }
0x7c: {  	_ =	shalt  }
0x7d: {  	_ =	shalt  }
0x7e: {  	_ =	shalt  }
0x7f: {  	_ =	shalt  }
0x80: {  	_ =	shalt  }
0x81: {  	_ =	shalt  }
0x82: {  	_ =	shalt  }
0x83: {  	_ =	shalt  }
0x84: {  	_ =	shalt  }
0x85: {  	_ =	shalt  }
0x86: {  	_ =	shalt  }
0x87: {  	_ =	shalt  }
.Lfunc_end0:
.L_simem_size_0:
called_computation_lowered:
.L_overlay_start_0:
0x88: {  	s2 =	sld [smem:$0x3FD9]  }
0x89: {  	s3 =	sld [smem:$0x3FFE];
	_ =	sdelay $0x1  }
0x8a: {  	s1 =	srdreg.scid  }
0x8b: {  	s0 =	sand.u32 $0x1, s1  }
0x8c: {  	s17 =	sshll.u32 s0, $0xA;
	s2 =	sadd.s32 s3, s2  }
0x8d: {  	s2 =	sadd.s32 s2, s17  }
0x8e: {  	[smem:$0x3FC0] =	sst s2  }
0x8f: {  	_ = 	snop  }
0x90: {  	s2 =	sld [smem:$0x3FC9];
	(tm) =	ssettm $0x1  }
0x91: {  	s18 =	sld [smem:$0x3FFB];
	_ =	sdelay $0x3  }
0x92: {  	_ =	strace s18  }
0x93: {  	s3 =	sld [smem:$0x3FFC];
	_ =	sdelay $0x3  }
0x94: {  	_ =	strace s3  }
0x95: {  	s3 =	sld [smem:$0x3FFD];
	_ =	sdelay $0x3  }
0x96: {  	_ =	strace s3  }
0x97: {  	_ =	strace $0x8FFFFFFF  }
0x98: {  	s19 =	sld [smem:$0x3FDB];
	_ =	sdelay $0x1  }
0x99: {  	s4 =	simm.s32 $_scs_section_size  }
0x9a: {  	s5 =	simm.s32 $_size__tile_overlayer_lowered;
	s6 =	simm.s32 $_tile_overlayer_lowered  }
0x9b: {  	s22 =	simm.s32 $0x1BFF;
	s21 =	sshll.u32 s6, $0x1;
	s3 =	sadd.s32 s4, s19  }
0x9c: {  	s7 =	simm.s32 $0x0;
	s20 =	sshll.u32 s5, $0x1;
	s5 =	sadd.s32 s21, s3  }
0x9d: {  	[timem:s7], [sflag:s22] =	dma.local [hbm:s5], s20  }
0x9e: {  	_ =	swait.ge [sflag:s22], s20  }
0x9f: {  	s4 =	ssub.s32 $0x0, s20;
	[sflag:s22] =	ssyncset.done $0x0  }
0xa0: {  	[sflag:s22] =	ssyncadd.s32 s4;
	_ =	sdelay $0x1  }
0xa1: {  	s23 =	simm.s32 $0x1B8B  }
0xa2: {  	_ =	swait.ge [sflag:s23], $0x1  }
0xa3: {  	[sflag:s23] =	ssyncset.done $0x0  }
0xa4: {  	s25 =	simm.s32 $0x1B8E;
	s24 =	sld [smem:$0x3FFE];
	[sflag:s23] =	ssyncadd.s32 $0xFFFFFFFF  }
0xa5: {  	s26 =	simm.s32 $execute0_lowered;
	[smem:$0x3FD2] =	sst s25  }
0xa6: {  	s5 =	sshll.u32 s26, $0x1;
	_ =	strace $0x80000046;
	[dreg:$0x1] =	wrdreg $0xFFFFFFFF  }
0xa7: {  	s28 =	simm.s32 $_size_execute0_lowered;
	s3 =	sadd.s32 s3, s5;
	[dreg:$0x0] =	wrdreg $0x0  }
0xa8: {  	s5 =	sshll.u32 s28, $0x1;
	[dreg:$0x2] =	wrdreg s3  }
0xa9: {  	[dreg:$0x3] =	wrdreg s5  }
0xaa: {  	[dreg:$0x4] =	wrdreg $0xC0  }
0xab: {  	_ =	task [dreg:s7], $0x5FFFF  }
0xac: {  	[dreg:$0x1] =	wrdreg $0xFFFFFFFF  }
0xad: {  	[dreg:$0x0] =	wrdreg $0x60  }
0xae: {  	[dreg:$0x2] =	wrdreg s2  }
0xaf: {  	[dreg:$0x3] =	wrdreg s24  }
0xb0: {  	[dreg:$0x4] =	wrdreg $0x9  }
0xb1: {  	_ =	task.clear_ibuf [dreg:s7], $0x5FFFF;
	_ =	strace $0x90000046  }
0xb2: {  	s29 =	simm.s32 $0x9;
	_ =	strace $0x80000048  }
0xb3: {  	_ =	swait.ge [sflag:s29], $0x1  }
0xb4: {  	[sflag:s29] =	ssyncadd.s32 $0xFFFFFFFF  }
0xb5: {  	_ =	strace $0x90000048  }
0xb6: {  	_ =	sfence  }
0xb7: {  	s30 =	sld [smem:$0x0];
	_ =	sdelay $0x2  }
0xb8: {  	s31 =	sshll.u32 s1, $0xD;
	s1 =	sshrl.u32 s1, $0x2  }
0xb9: {  	s3 =	sand.u32 $0x4000, s31;
	s1 =	sadd.s32 s1, s30  }
0xba: {  	s0 =	sor.u32 s3, s0;
	s1 =	sshll.u32 s1, $0x11  }
0xbb: {  	s0 =	sor.u32 s1, s0  }
0xbc: {  	s0 =	sadd.s32 $0x8F2B, s0  }
0xbd: {  	[sflag:s0] =	ssyncadd.remote.s32 $0x1  }
0xbe: {  	_ =	sfence.sel $0xFFFF  }
0xbf: {  	[dreg:$0x0] =	wrdreg $0xFFFFFFFF;
	(pc) =	sbr.abs _section_cstart, $3  }
0xc0: {  	[dreg:$0x1] =	wrdreg $0xFFFFFFFF  }
0xc1: {  	_ =	task.clear_ibuf [dreg:s7], $0x2FFFF;
	_ =	strace $0x9FFFFFFF  }
0xc2: {  	(tm) =	ssettm $0x7FFFFFFF  }
0xc3: {  	_ =	shalt  }
tec
execute0_lowered:
.L_overlay_start_1:
0x0: {  	(tag) =	ssettag $0x1  }
0x1: {  	s1 =	srdreg.scid;
	s2 =	rddreg [dreg:$0x0]  }
0x2: {  	s0 =	stileid.u32;
	s8 =	rddreg [dreg:$0x1]  }
0x3: {  	s3 =	simm.s32 $0x0;
	s13 =	simm.s32 $0x200;
	s14 =	simm.s32 $0x4F00  }
0x4: {  	s15 =	simm.s32 $0x3;
	s16 =	simm.s32 $0x7680;
	s17 =	simm.s32 $0x9E00  }
0x5: {  	s18 =	simm.s32 $0xC580;
	s6 =	sand.u32 $0x1, s1;
	s29 =	sshll.u32 s0, $0x1  }
0x6: {  	s19 =	simm.s32 $0x400;
	s20 =	simm.s32 $0x2780;
	s5 =	sor.u32 s6, s29  }
0x7: {  	s21 =	simm.s32 $0x1;
	s22 =	simm.s32 $0x2;
	s4 =	smul.u32 $0x14, s5  }
0x8: {  	s23 =	simm.s32 $0xED00;
	s24 =	simm.s32 $0x0;
	[smem:$0x7FF] =	sst s3  }
0x9: {  	s1 =	rddreg [dreg:$0x2];
	_ =	strace $0x80000047;
	s4 =	sadd.s32 $0x2490, s4  }
0xa: {  	s10 =	ssub.s32 $0x2, s6;
	s7 =	smul.u32 $0xA0, s5;
	s30 =	sshrl.u32 s4, $0x3  }
0xb: {  	s6 =	sshll.u32 s6, $0x9;
	s31 =	sshrl.u32 s10, $0x1;
	s9 =	smul.u32 $0x13C00, s30  }
0xc: {  	s5 =	sadd.s32 $0x1C00, s8;
	s12 =	ssub.s32 s10, s31;
	s11 =	sadd.s32 s7, s8  }
0xd: {  	s7 =	sadd.s32 $0x1C20, s8;
	s10 =	sadd.s32 $0x3000, s11;
	s9 =	sor.u32 s6, s9  }
0xe: {  	s11 =	smax.u32 s12, $0x1;
	s12 =	simm.s32 $0x80;
	s9 =	sshrl.u32 s9, $0x3  }
0xf: {  	s6 =	sadd.s32 $0x1C10, s8;
	s8 =	sadd.s32 $0x1C30, s8;
	s9 =	sadd.s32 s2, s9  }
.LBB2_1:
0x10: {  	[tilespmem:s14], [sflag:$0x3] =	stream.strided.gather [hbm4b:s5+s12], $0x2780, s13, s12, $0x38;
	[tilespmem:$0xF200] =	vst v63  }
0x11: {  	_ =	swait.ge [sflag:s15], $0x2780  }
0x12: {  	[sflag:s15] =	ssyncset.done $0x0  }
0x13: {  	[sflag:s15] =	ssyncadd.s32 $0xFFFFD880  }
0x14: {  	[tilespmem:s16], [sflag:$0x3] =	stream.strided.gather [hbm4b:s6+s12], $0x2780, s13, s12, $0x38;
	[tilespmem:$0xF200] =	vst v63  }
0x15: {  	_ =	swait.ge [sflag:s15], $0x2780  }
0x16: {  	[sflag:s15] =	ssyncset.done $0x0  }
0x17: {  	[sflag:s15] =	ssyncadd.s32 $0xFFFFD880  }
0x18: {  	[tilespmem:s17], [sflag:$0x3] =	stream.strided.gather [hbm4b:s7+s12], $0x2780, s13, s12, $0x38;
	[tilespmem:$0xF200] =	vst v63  }
0x19: {  	_ =	swait.ge [sflag:s15], $0x2780  }
0x1a: {  	[sflag:s15] =	ssyncset.done $0x0  }
0x1b: {  	[sflag:s15] =	ssyncadd.s32 $0xFFFFD880  }
0x1c: {  	[tilespmem:s18], [sflag:$0x3] =	stream.strided.gather [hbm4b:s8+s12], $0x2780, s13, s12, $0x38;
	[tilespmem:$0xF200] =	vst v63  }
0x1d: {  	_ =	swait.ge [sflag:s15], $0x2780  }
0x1e: {  	[sflag:s15] =	ssyncset.done $0x0  }
0x1f: {  	s25 =	simm.s32 $0x0;
	[sflag:s15] =	ssyncadd.s32 $0xFFFFD880  }
0x20: {  	[tilespmem:s3], [sflag:$0x1] =	stream.strided.gather [hbm4b:s9+s12], $0x2780, s19, s12, $0x38;
	[tilespmem:$0xF200] =	vst v63  }
.LBB2_2:
0x21: {  	s26 =	sshll.u32 s25, $0x1  }
0x22: {  	s26 =	sadd.s32 s4, s26  }
0x23: {  	s28 =	sshrl.u32 s26, $0x3  }
0x24: {  	s29 =	sshll.u32 s26, $0x7;
	s28 =	smul.u32 $0x13C00, s28  }
0x25: {  	s29 =	sand.u32 $0x300, s29  }
0x26: {  	s28 =	sor.u32 s28, s29  }
0x27: {  	s28 =	sshrl.u32 s28, $0x3  }
0x28: {  	s28 =	sadd.s32 s28, s2  }
0x29: {  	s28 =	sadd.s32 $0x10, s28  }
0x2a: {  	[tilespmem:s20], [sflag:$0x2] =	stream.strided.gather [hbm4b:s28+s12], $0x2780, s19, s12, $0x38;
	[tilespmem:$0xF200] =	vst v63  }
0x2b: {  	_ =	swait.ge [sflag:s21], $0x2780  }
0x2c: {  	[sflag:s21] =	ssyncset.done $0x0  }
0x2d: {  	s28 =	simm.s32 $0x0;
	[sflag:s21] =	ssyncadd.s32 $0xFFFFD880  }
0x2e: {  	v0 =	vld [tilespmem:s28+$0x40]  }
0x2f: {  	v8 =	vld [tilespmem:s28+$0x4F40]  }
0x30: {  	v9 =	vld [tilespmem:s28+$0x76C0]  }
0x31: {  	v1 =	vld [tilespmem:s28+$0x30]  }
0x32: {  	v10 =	vld [tilespmem:s28+$0x4F30]  }
0x33: {  	v12 =	vld [tilespmem:s28+$0x76B0]  }
0x34: {  	v2 =	vld [tilespmem:s28+$0x20]  }
0x35: {  	v14 =	vld [tilespmem:s28+$0x4F20]  }
0x36: {  	v15 =	vld [tilespmem:s28+$0x76A0]  }
0x37: {  	v3 =	vld [tilespmem:s28+$0x10]  }
0x38: {  	v16 =	vld [tilespmem:s28+$0x4F10]  }
0x39: {  	v13 =	vld [tilespmem:s28+$0x7690]  }
0x3a: {  	v11 =	vld [tilespmem:s28+$0x0]  }
0x3b: {  	v18 =	vld [tilespmem:s28+$0x4F00]  }
0x3c: {  	v6 =	vimm.f32 $0.0e+00;
	v19 =	vld [tilespmem:s28+$0x7680]  }
0x3d: {  	v7 =	vimm.f32 $0.0e+00;
	v5 =	vimm.f32 $0.0e+00;
	v4 =	vimm.f32 $0.0e+00;
	s29 =	simm.s32 $0x140;
	v17 =	vld [tilespmem:s28+$0x9E00]  }
.LBB2_3:
0x3e: {  	p0 =	sne.s32 s29, $0x9B00;
	v20 =	vld [tilespmem:s28+$0xC580];
	v21 =	vmul.f32 v8, v0;
	v22 =	vmul.f32 v9, v0  }
0x3f: {  	v10 =	vmul.f32 v10, v1;
	v12 =	vmul.f32 v12, v1;
	v8 =	vld [tilespmem:s28+$0x9E10]  }
0x40: {  	v14 =	vmul.f32 v14, v2;
	v15 =	vmul.f32 v15, v2;
	v9 =	vld [tilespmem:s28+$0xC590]  }
0x41: {  	v16 =	vmul.f32 v16, v3;
	v13 =	vmul.f32 v13, v3;
	v23 =	vld [tilespmem:s28+$0x9E20]  }
0x42: {  	v18 =	vmul.f32 v18, v11;
	v19 =	vmul.f32 v19, v11;
	v24 =	vld [tilespmem:s28+$0xC5A0]  }
0x43: {  	v17 =	vmul.f32 v17, v11;
	v11 =	vmul.f32 v20, v11;
	v20 =	vld [tilespmem:s28+$0x9E30]  }
0x44: {  	v6 =	vadd.f32 v18, v6;
	v7 =	vadd.f32 v19, v7;
	v8 =	vmul.f32 v8, v3;
	v18 =	vld [tilespmem:s28+$0xC5B0]  }
0x45: {  	v5 =	vadd.f32 v17, v5;
	v4 =	vadd.f32 v11, v4;
	v3 =	vmul.f32 v9, v3;
	v11 =	vld [tilespmem:s28+$0x9E40]  }
0x46: {  	v6 =	vadd.f32 v16, v6;
	v7 =	vadd.f32 v13, v7;
	v13 =	vmul.f32 v23, v2;
	v16 =	vld [tilespmem:s28+$0xC5C0];
	s28 =	sshra.s32 s29, $0x2  }
0x47: {  	v5 =	vadd.f32 v8, v5;
	v17 =	vld [tilespmem:s28+$0x40];
	v3 =	vadd.f32 v3, v4;
	v2 =	vmul.f32 v24, v2  }
0x48: {  	v4 =	vadd.f32 v14, v6;
	v6 =	vadd.f32 v15, v7;
	v8 =	vld [tilespmem:s28+$0x4F40];
	v7 =	vmul.f32 v20, v1  }
0x49: {  	v5 =	vadd.f32 v13, v5;
	v9 =	vld [tilespmem:s28+$0x76C0];
	v2 =	vadd.f32 v2, v3;
	v3 =	vmul.f32 v18, v1  }
0x4a: {  	v4 =	vadd.f32 v10, v4;
	v13 =	vadd.f32 v12, v6;
	v1 =	vld [tilespmem:s28+$0x30];
	v11 =	vmul.f32 v11, v0  }
0x4b: {  	v5 =	vadd.f32 v7, v5;
	v10 =	vld [tilespmem:s28+$0x4F30];
	v3 =	vadd.f32 v3, v2;
	v14 =	vmul.f32 v16, v0  }
0x4c: {  	v6 =	vadd.f32 v21, v4;
	v7 =	vadd.f32 v22, v13;
	v12 =	vld [tilespmem:s28+$0x76B0];
	v0 =	vmov v17  }
0x4d: {  	v5 =	vadd.f32 v11, v5;
	v2 =	vld [tilespmem:s28+$0x20];
	v4 =	vadd.f32 v14, v3  }
0x4e: {  	v14 =	vld [tilespmem:s28+$0x4F20]  }
0x4f: {  	v15 =	vld [tilespmem:s28+$0x76A0]  }
0x50: {  	v3 =	vld [tilespmem:s28+$0x10]  }
0x51: {  	v16 =	vld [tilespmem:s28+$0x4F10]  }
.Ltmp0:
0x52: {  	v13 =	vld [tilespmem:s28+$0x7690];
	(pc) =	sbr.rel @p0 .LBB2_3-.Ltmp0, $4  }
0x53: {  	v11 =	vld [tilespmem:s28+$0x0]  }
0x54: {  	v18 =	vld [tilespmem:s28+$0x4F00]  }
0x55: {  	v19 =	vld [tilespmem:s28+$0x7680]  }
0x56: {  	s29 =	sadd.s32 $0x140, s29;
	v17 =	vld [tilespmem:s28+$0x9E00]  }
0x57: {  	v20 =	vld [tilespmem:s28+$0xC580];
	v8 =	vmul.f32 v8, v0;
	v9 =	vmul.f32 v9, v0  }
0x58: {  	v21 =	vld [tilespmem:s28+$0x9E10];
	v10 =	vmul.f32 v10, v1;
	v12 =	vmul.f32 v12, v1  }
0x59: {  	v22 =	vld [tilespmem:s28+$0xC590];
	v14 =	vmul.f32 v14, v2;
	v18 =	vmul.f32 v18, v11  }
0x5a: {  	v15 =	vmul.f32 v15, v2;
	v23 =	vld [tilespmem:s28+$0x9E20];
	v19 =	vmul.f32 v19, v11  }
0x5b: {  	v16 =	vmul.f32 v16, v3;
	v24 =	vld [tilespmem:s28+$0xC5A0];
	v17 =	vmul.f32 v17, v11;
	v6 =	vadd.f32 v18, v6  }
0x5c: {  	v13 =	vmul.f32 v13, v3;
	v18 =	vld [tilespmem:s28+$0x9E30];
	v11 =	vmul.f32 v20, v11;
	v7 =	vadd.f32 v19, v7  }
0x5d: {  	v19 =	vmul.f32 v21, v3;
	v20 =	vld [tilespmem:s28+$0xC5B0];
	v5 =	vadd.f32 v17, v5;
	v6 =	vadd.f32 v16, v6  }
0x5e: {  	v3 =	vmul.f32 v22, v3;
	v4 =	vadd.f32 v11, v4;
	v11 =	vld [tilespmem:s28+$0x9E40];
	v7 =	vadd.f32 v13, v7  }
0x5f: {  	v16 =	vld [tilespmem:s28+$0xC5C0];
	v13 =	vmul.f32 v23, v2;
	v5 =	vadd.f32 v19, v5;
	v6 =	vadd.f32 v14, v6  }
0x60: {  	v2 =	vmul.f32 v24, v2;
	v3 =	vadd.f32 v3, v4;
	v4 =	vadd.f32 v15, v7  }
0x61: {  	s26 =	smin.u32 s26, $0x270D;
	v7 =	vmul.f32 v18, v1;
	v5 =	vadd.f32 v13, v5;
	v6 =	vadd.f32 v10, v6  }
0x62: {  	s28 =	sadd.s32 $0x2, s26;
	v1 =	vmul.f32 v20, v1;
	v2 =	vadd.f32 v2, v3;
	v3 =	vadd.f32 v12, v4  }
0x63: {  	s31 =	sshll.u32 s25, $0x7;
	s29 =	sshrl.u32 s28, $0x3;
	v4 =	vmul.f32 v11, v0;
	v5 =	vadd.f32 v7, v5;
	v6 =	vadd.f32 v8, v6  }
0x64: {  	s26 =	sand.u32 $0x3FFFFF80, s31;
	s28 =	sshll.u32 s28, $0x7;
	s29 =	smul.u32 $0x13C00, s29;
	v0 =	vmul.f32 v16, v0;
	v1 =	vadd.f32 v1, v2;
	v2 =	vadd.f32 v9, v3  }
0x65: {  	s28 =	sand.u32 $0x380, s28;
	v3 =	vadd.f32 v4, v5;
	[tilespmem:s26+$0xED00] =	vst v6  }
0x66: {  	s28 =	sor.u32 s28, s29;
	v0 =	vadd.f32 v0, v1;
	[tilespmem:s26+$0xED10] =	vst v2  }
0x67: {  	s28 =	sshrl.u32 s28, $0x3;
	[tilespmem:s26+$0xED20] =	vst v3  }
0x68: {  	s29 =	simm.s32 $0x0;
	s28 =	sadd.s32 s2, s28;
	[tilespmem:s26+$0xED30] =	vst v0  }
0x69: {  	[tilespmem:s29], [sflag:$0x1] =	stream.strided.gather [hbm4b:s28+s12], $0x2780, s19, s12, $0x38;
	[tilespmem:$0xF200] =	vst v63  }
0x6a: {  	_ =	swait.ge [sflag:s22], $0x2780  }
0x6b: {  	[sflag:s22] =	ssyncset.done $0x0  }
0x6c: {  	s28 =	simm.s32 $0x0;
	[sflag:s22] =	ssyncadd.s32 $0xFFFFD880  }
0x6d: {  	v0 =	vld [tilespmem:s28+$0x27C0]  }
0x6e: {  	v8 =	vld [tilespmem:s28+$0x4F40]  }
0x6f: {  	v9 =	vld [tilespmem:s28+$0x76C0]  }
0x70: {  	v1 =	vld [tilespmem:s28+$0x27B0]  }
0x71: {  	v10 =	vld [tilespmem:s28+$0x4F30]  }
0x72: {  	v12 =	vld [tilespmem:s28+$0x76B0]  }
0x73: {  	v2 =	vld [tilespmem:s28+$0x27A0]  }
0x74: {  	v14 =	vld [tilespmem:s28+$0x4F20]  }
0x75: {  	v15 =	vld [tilespmem:s28+$0x76A0]  }
0x76: {  	v3 =	vld [tilespmem:s28+$0x2790]  }
0x77: {  	v16 =	vld [tilespmem:s28+$0x4F10]  }
0x78: {  	v13 =	vld [tilespmem:s28+$0x7690]  }
0x79: {  	v11 =	vld [tilespmem:s28+$0x2780]  }
0x7a: {  	v18 =	vld [tilespmem:s28+$0x4F00]  }
0x7b: {  	v7 =	vimm.f32 $0.0e+00;
	v19 =	vld [tilespmem:s28+$0x7680]  }
0x7c: {  	v6 =	vimm.f32 $0.0e+00;
	v5 =	vimm.f32 $0.0e+00;
	v4 =	vimm.f32 $0.0e+00;
	s29 =	simm.s32 $0x140;
	v17 =	vld [tilespmem:s28+$0x9E00]  }
.LBB2_5:
0x7d: {  	p0 =	sne.s32 s29, $0x9B00;
	v20 =	vld [tilespmem:s28+$0xC580];
	v21 =	vmul.f32 v8, v0;
	v22 =	vmul.f32 v9, v0  }
0x7e: {  	v10 =	vmul.f32 v10, v1;
	v12 =	vmul.f32 v12, v1;
	v8 =	vld [tilespmem:s28+$0x9E10]  }
0x7f: {  	v14 =	vmul.f32 v14, v2;
	v15 =	vmul.f32 v15, v2;
	v9 =	vld [tilespmem:s28+$0xC590]  }
0x80: {  	v16 =	vmul.f32 v16, v3;
	v13 =	vmul.f32 v13, v3;
	v23 =	vld [tilespmem:s28+$0x9E20]  }
0x81: {  	v18 =	vmul.f32 v18, v11;
	v19 =	vmul.f32 v19, v11;
	v24 =	vld [tilespmem:s28+$0xC5A0]  }
0x82: {  	v17 =	vmul.f32 v17, v11;
	v11 =	vmul.f32 v20, v11;
	v20 =	vld [tilespmem:s28+$0x9E30]  }
0x83: {  	v6 =	vadd.f32 v18, v6;
	v7 =	vadd.f32 v19, v7;
	v8 =	vmul.f32 v8, v3;
	v18 =	vld [tilespmem:s28+$0xC5B0]  }
0x84: {  	v5 =	vadd.f32 v17, v5;
	v4 =	vadd.f32 v11, v4;
	v3 =	vmul.f32 v9, v3;
	v11 =	vld [tilespmem:s28+$0x9E40]  }
0x85: {  	v6 =	vadd.f32 v16, v6;
	v7 =	vadd.f32 v13, v7;
	v13 =	vmul.f32 v23, v2;
	v16 =	vld [tilespmem:s28+$0xC5C0];
	s28 =	sshra.s32 s29, $0x2  }
0x86: {  	v5 =	vadd.f32 v8, v5;
	v17 =	vld [tilespmem:s28+$0x27C0];
	v3 =	vadd.f32 v3, v4;
	v2 =	vmul.f32 v24, v2  }
0x87: {  	v4 =	vadd.f32 v14, v6;
	v6 =	vadd.f32 v15, v7;
	v8 =	vld [tilespmem:s28+$0x4F40];
	v7 =	vmul.f32 v20, v1  }
0x88: {  	v5 =	vadd.f32 v13, v5;
	v9 =	vld [tilespmem:s28+$0x76C0];
	v2 =	vadd.f32 v2, v3;
	v3 =	vmul.f32 v18, v1  }
0x89: {  	v4 =	vadd.f32 v10, v4;
	v13 =	vadd.f32 v12, v6;
	v1 =	vld [tilespmem:s28+$0x27B0];
	v11 =	vmul.f32 v11, v0  }
0x8a: {  	v5 =	vadd.f32 v7, v5;
	v10 =	vld [tilespmem:s28+$0x4F30];
	v3 =	vadd.f32 v3, v2;
	v14 =	vmul.f32 v16, v0  }
0x8b: {  	v6 =	vadd.f32 v21, v4;
	v7 =	vadd.f32 v22, v13;
	v12 =	vld [tilespmem:s28+$0x76B0];
	v0 =	vmov v17  }
0x8c: {  	v5 =	vadd.f32 v11, v5;
	v2 =	vld [tilespmem:s28+$0x27A0];
	v4 =	vadd.f32 v14, v3  }
0x8d: {  	v14 =	vld [tilespmem:s28+$0x4F20]  }
0x8e: {  	v15 =	vld [tilespmem:s28+$0x76A0]  }
0x8f: {  	v3 =	vld [tilespmem:s28+$0x2790]  }
0x90: {  	v16 =	vld [tilespmem:s28+$0x4F10]  }
.Ltmp1:
0x91: {  	v13 =	vld [tilespmem:s28+$0x7690];
	(pc) =	sbr.rel @p0 .LBB2_5-.Ltmp1, $4  }
0x92: {  	v11 =	vld [tilespmem:s28+$0x2780]  }
0x93: {  	v18 =	vld [tilespmem:s28+$0x4F00]  }
0x94: {  	v19 =	vld [tilespmem:s28+$0x7680]  }
0x95: {  	s29 =	sadd.s32 $0x140, s29;
	v17 =	vld [tilespmem:s28+$0x9E00]  }
0x96: {  	v20 =	vld [tilespmem:s28+$0xC580];
	v8 =	vmul.f32 v8, v0;
	v9 =	vmul.f32 v9, v0  }
0x97: {  	v21 =	vld [tilespmem:s28+$0x9E10];
	v10 =	vmul.f32 v10, v1;
	v12 =	vmul.f32 v12, v1  }
0x98: {  	v22 =	vld [tilespmem:s28+$0xC590];
	v14 =	vmul.f32 v14, v2;
	v18 =	vmul.f32 v18, v11  }
0x99: {  	v15 =	vmul.f32 v15, v2;
	v23 =	vld [tilespmem:s28+$0x9E20];
	v19 =	vmul.f32 v19, v11  }
0x9a: {  	v16 =	vmul.f32 v16, v3;
	v24 =	vld [tilespmem:s28+$0xC5A0];
	v17 =	vmul.f32 v17, v11;
	v6 =	vadd.f32 v18, v6  }
0x9b: {  	v13 =	vmul.f32 v13, v3;
	v48 =	vld [tilespmem:s28+$0x9E30];
	v47 =	vmul.f32 v20, v11;
	v7 =	vadd.f32 v19, v7  }
0x9c: {  	v50 =	vld [tilespmem:s28+$0xC5B0];
	v49 =	vmul.f32 v21, v3;
	v5 =	vadd.f32 v17, v5;
	v6 =	vadd.f32 v16, v6  }
0x9d: {  	v52 =	vld [tilespmem:s28+$0x9E40];
	v51 =	vmul.f32 v22, v3;
	v4 =	vadd.f32 v47, v4;
	v7 =	vadd.f32 v13, v7  }
0x9e: {  	v54 =	vld [tilespmem:s28+$0xC5C0];
	v53 =	vmul.f32 v23, v2;
	v5 =	vadd.f32 v49, v5;
	v6 =	vadd.f32 v14, v6  }
0x9f: {  	v55 =	vmul.f32 v24, v2;
	v3 =	vadd.f32 v51, v4;
	v56 =	vadd.f32 v15, v7  }
0xa0: {  	v57 =	vmul.f32 v48, v1;
	v5 =	vadd.f32 v53, v5;
	v6 =	vadd.f32 v10, v6  }
0xa1: {  	s25 =	sadd.s32 $0x1, s25;
	v58 =	vmul.f32 v50, v1;
	v2 =	vadd.f32 v55, v3;
	v59 =	vadd.f32 v12, v56  }
0xa2: {  	p0 =	sne.s32 s25, $0xA;
	v60 =	vmul.f32 v52, v0;
	v5 =	vadd.f32 v57, v5;
	v6 =	vadd.f32 v8, v6  }
.Ltmp2:
0xa3: {  	v61 =	vmul.f32 v54, v0;
	v1 =	vadd.f32 v58, v2;
	v62 =	vadd.f32 v9, v59;
	(pc) =	sbr.rel @p0 .LBB2_2-.Ltmp2, $4  }
0xa4: {  	v63 =	vadd.f32 v60, v5;
	[tilespmem:s26+$0xED40] =	vst v6  }
0xa5: {  	v0 =	vadd.f32 v61, v1;
	[tilespmem:s26+$0xED50] =	vst v62  }
0xa6: {  	[tilespmem:s26+$0xED60] =	vst v63  }
0xa7: {  	[tilespmem:s26+$0xED70] =	vst v0  }
0xa8: {  	_ =	swait.ge [sflag:s21], $0x2780;
	s24 =	sadd.s32 $0x1, s24  }
0xa9: {  	[sflag:s21] =	ssyncset.done $0x0;
	p0 =	sne.s32 s24, s11  }
.Ltmp3:
0xaa: {  	[sflag:s21] =	ssyncadd.s32 $0xFFFFD880;
	(pc) =	sbr.rel @p0 .LBB2_1-.Ltmp3, $4  }
0xab: {  	[hbm4b:s10+s3] =	stream.linear.scatter [tilespmem:s23], [sflag:$0x3], $0x500, $0x38;
	[tilespmem:$0xF200] =	vst v63  }
0xac: {  	_ =	swait.ge [sflag:s15], $0x500  }
0xad: {  	[sflag:s15] =	ssyncset.done $0x0  }
0xae: {  	[sflag:s15] =	ssyncadd.s32 $0xFFFFFB00  }
0xaf: {  	_ =	sfence.sel $0x180000  }
0xb0: {  	[bflag:$0x0] =	sbarrier.arrive $0xFFFF  }
0xb1: {  	p0 =	sne.s32 s0, $0x0;
	_ =	strace $0x90000047  }
0xb2: {  	s0 =	sadd.s32 @!p0 $0x100000, s1;
	[bflag:$0x2] =	sbarrier.arrive $0xFFFF  }
0xb3: {  	[sflag:s0] =	ssyncadd.tile.s32 @!p0 $0x1;
	_ =	shalt  }
.Lfunc_end2:
_tile_overlayer_lowered:
.L_overlay_start_2:
0xb4: {  	(tag) =	ssettag $0x2  }
0xb5: {  	s0 =	rddreg [dreg:$0x0];
	s2 =	stileid.u32  }
0xb6: {  	s1 =	rddreg [dreg:$0x1];
	p0 =	sne.s32 s2, $0x0  }
0xb7: {  	s3 =	rddreg [dreg:$0x2];
	[bflag:$0x3] =	sbarrier.arrive $0xFFFF;
	s2 =	simm.s32 @!p0 $0x1C03  }
0xb8: {  	[timem:s3], [sflag:s2] =	dma.local @!p0 [hbm:s0], s1  }
0xb9: {  	s0 =	simm.s32 @!p0 $0x3  }
0xba: {  	_ =	swait.ge @!p0 [sflag:s0], s1  }
0xbb: {  	s1 =	ssub.s32 @!p0 $0x0, s1;
	[sflag:s0] =	ssyncset.done @!p0 $0x0  }
0xbc: {  	[sflag:s0] =	ssyncadd.s32 @!p0 s1  }
0xbd: {  	[bflag:$0x3] =	sbarrier.arrive $0xFFFF  }
0xbe: {  	_ =	shalt  }

</sc_bundles>
